<compile_context>
chip_gen: v7x
topology: tpu7x:2x2x1
jax: 0.10.2.dev20260603
libtpu: 0.0.44.dev20260713+nightly
codegen_flags: <defaults>
</compile_context>

<pallas_src>
import functools

import jax
import jax.numpy as jnp
from jax import lax
from jax.experimental import pallas as pl
from jax.experimental.pallas import tpu as pltpu
from jax.experimental.pallas import tpu_sc as plsc

N = 10000
E = 320000
D = 128
H = 16
C = 64

NUM_CORES = 2
NUM_TILES = 16
NUM_WORKERS = NUM_CORES * NUM_TILES
NPAD = 10240
ZERO_ROW = N
ACC_ROWS = NPAD + 16
DUMMY_DST = NPAD
INIT_ROWS = NPAD // NUM_TILES

EDGES_PER_WORKER = E // NUM_WORKERS
CHUNK = 2048
NCHUNK = EDGES_PER_WORKER // CHUNK + 1
EPW_PAD = NCHUNK * CHUNK


def _prep_body(x_ref, w1_ref, src_ref, dst_ref, y_ref, srcg_ref):
    x = x_ref[...]
    w1 = w1_ref[...]
    y_ref[...] = lax.dot_general(x, w1, (((1,), (1,)), ((), ())),
                                 preferred_element_type=jnp.float32,
                                 precision=lax.Precision.HIGHEST)
    src = src_ref[...]
    dst = dst_ref[...]
    srcg_ref[...] = jnp.where(src == dst, ZERO_ROW, src)


_prep_call = pl.pallas_call(
    _prep_body,
    out_shape=(
        jax.ShapeDtypeStruct((NPAD, H), jnp.float32),
        jax.ShapeDtypeStruct((E // 128, 128), jnp.int32),
    ),
)


def _sc_step_body(h_hbm, z_hbm, srcg_hbm, dst_hbm, out_hbm, acc, sidx, didx,
                  rows, sem):
    c = lax.axis_index("c")
    s = lax.axis_index("s")
    w = c * NUM_TILES + s
    sl_init = pl.ds(s * INIT_ROWS, INIT_ROWS)

    @pl.when(c == 0)
    def _():
        pltpu.sync_copy(h_hbm.at[sl_init], acc.at[sl_init])

    @pl.when(c == 1)
    def _():
        pltpu.sync_copy(z_hbm.at[sl_init], acc.at[sl_init])

    pltpu.sync_copy(srcg_hbm.at[w], sidx)
    pltpu.sync_copy(dst_hbm.at[w], didx)
    plsc.subcore_barrier()

    def body(j, carry):
        sl = pl.ds(j * CHUNK, CHUNK)
        pltpu.async_copy(h_hbm.at[sidx.at[sl]], rows, sem).wait()
        pltpu.sync_copy(rows, acc.at[didx.at[sl]], add=True)
        return carry

    lax.fori_loop(0, NCHUNK, body, 0)
    plsc.subcore_barrier()
    pltpu.sync_copy(acc.at[sl_init], out_hbm.at[c, sl_init])


@functools.cache
def _get_sc_step():
    return pl.kernel(
        _sc_step_body,
        out_type=jax.ShapeDtypeStruct((NUM_CORES, NPAD, H), jnp.float32),
        mesh=plsc.VectorSubcoreMesh(core_axis_name="c", subcore_axis_name="s",
                                    num_cores=NUM_CORES, num_subcores=NUM_TILES),
        scratch_types=[
            pltpu.VMEM_SHARED((ACC_ROWS, H), jnp.float32),
            pltpu.VMEM((EPW_PAD,), jnp.int32),
            pltpu.VMEM((EPW_PAD,), jnp.int32),
            pltpu.VMEM((CHUNK, H), jnp.float32),
            pltpu.SemaphoreType.DMA,
        ],
        compiler_params=pltpu.CompilerParams(use_tc_tiling_on_sc=False),
    )


def _add_body(a_ref, o_ref):
    o_ref[...] = a_ref[0] + a_ref[1]


_add_call = pl.pallas_call(
    _add_body,
    out_shape=jax.ShapeDtypeStruct((NPAD, H), jnp.float32),
)


_SELU_SCALE = 1.0507009873554805
_SELU_ALPHA = 1.6732632423543772


def _bn_body(a_ref, b1_ref, g_ref, bt_ref, o_ref):
    h = a_ref[0] + a_ref[1]
    mask = (lax.broadcasted_iota(jnp.int32, (NPAD, 1), 0) < N).astype(jnp.float32)
    hb = (h + b1_ref[...]) * mask
    mean = jnp.sum(hb, axis=0, keepdims=True) / N
    ctr = (hb - mean) * mask
    var = jnp.sum(ctr * ctr, axis=0, keepdims=True) / N
    z = (hb - mean) * lax.rsqrt(var + 1e-5) * g_ref[...] + bt_ref[...]
    act = _SELU_SCALE * jnp.where(z > 0, z, _SELU_ALPHA * (jnp.exp(z) - 1.0))
    o_ref[...] = act * mask


_bn_call = pl.pallas_call(
    _bn_body,
    out_shape=jax.ShapeDtypeStruct((NPAD, H), jnp.float32),
)


def _out_body(a_ref, w2_ref, b2_ref, o_ref):
    h = a_ref[0] + a_ref[1]
    logits = lax.dot_general(h, w2_ref[...], (((1,), (1,)), ((), ())),
                             preferred_element_type=jnp.float32) + b2_ref[...]
    m = jnp.max(logits, axis=1, keepdims=True)
    e = jnp.exp(logits - m)
    p = e / jnp.sum(e, axis=1, keepdims=True)
    o_ref[...] = p[:N, :]


_out_call = pl.pallas_call(
    _out_body,
    out_shape=jax.ShapeDtypeStruct((N, C), jnp.float32),
)


def _to_slabs(a, fill):
    a = a.reshape(NUM_WORKERS, EDGES_PER_WORKER)
    return jnp.pad(a, ((0, 0), (0, EPW_PAD - EDGES_PER_WORKER)),
                   constant_values=fill)


def kernel(x, edge_index, W1, b1, gamma, beta, W2, b2):
    x_pad = jnp.pad(x, ((0, NPAD - N), (0, 0)))
    src2d = edge_index[0].reshape(E // 128, 128)
    dst2d = edge_index[1].reshape(E // 128, 128)
    y, srcg = _prep_call(x_pad, W1, src2d, dst2d)

    srcg_t = _to_slabs(srcg.reshape(-1), ZERO_ROW)
    dst_t = _to_slabs(edge_index[1], DUMMY_DST)
    z = jnp.zeros((NPAD, H), jnp.float32)

    sc_step = _get_sc_step()
    a = sc_step(y, z, srcg_t, dst_t)
    h = _add_call(a)
    a = sc_step(h, z, srcg_t, dst_t)
    h = _bn_call(a, b1.reshape(1, H), gamma.reshape(1, H), beta.reshape(1, H))
    a = sc_step(h, z, srcg_t, dst_t)
    return _out_call(a, W2, b2.reshape(1, C))

# --- scband reference (transcript-rebuilt; emitter-appended) ---
"""Pipeline reference for scband-node-classifier-80144089743763 (READ-ONLY COPY).

The authoritative reference and input builder live on the scoring server;
editing this copy changes nothing except your own understanding.
"""

import jax, jax.numpy as jnp
import numpy as np

N = 10000
E = 320000
D = 128
H = 16
C = 64
K_STEPS = 2


def setup_inputs(seed: int = 0) -> dict:
    key = jax.random.key(seed)
    ks = jax.random.split(key, 9)
    x = jax.random.normal(ks[0], (N, D), dtype=jnp.float32)
    edge_index = jax.random.randint(ks[1], (2, E), 0, N, dtype=jnp.int32)
    # conv1.fc: Linear(D, H)
    W1 = jax.random.normal(ks[2], (H, D), dtype=jnp.float32) / np.sqrt(D)
    b1 = jnp.zeros((H,), dtype=jnp.float32)
    # BatchNorm(H)
    gamma = jnp.ones((H,), dtype=jnp.float32)
    beta = jnp.zeros((H,), dtype=jnp.float32)
    # conv2.fc: Linear(H, C)
    W2 = jax.random.normal(ks[3], (C, H), dtype=jnp.float32) / np.sqrt(H)
    b2 = jnp.zeros((C,), dtype=jnp.float32)
    return {"x": x, "edge_index": edge_index, "W1": W1, "b1": b1,
            "gamma": gamma, "beta": beta, "W2": W2, "b2": b2}


def _propagate(h, src, dst, nonloop_mask, steps):
    # add_remaining_self_loops: drop existing self-loops, add exactly one per node.
    # With 'add' aggregation and no edge weights this equals:
    #   out[dst] += h[src] for non-loop edges, plus out[i] += h[i] (self loop).
    for _ in range(steps):
        agg = jnp.zeros_like(h).at[dst].add(h[src] * nonloop_mask[:, None])
        h = agg + h
    return h


def reference(x, edge_index, W1, b1, gamma, beta, W2, b2):
    src = edge_index[0]
    dst = edge_index[1]
    nonloop_mask = (src != dst).astype(x.dtype)
    # conv1: KProp(D->H, steps=K_STEPS, aggr='add', add_self_loops=True)
    h = _propagate(x, src, dst, nonloop_mask, K_STEPS)
    h = h @ W1.T + b1
    # BatchNorm1d over nodes (training-mode batch statistics)
    mean = jnp.mean(h, axis=0)
    var = jnp.var(h, axis=0)
    h = (h - mean) / jnp.sqrt(var + 1e-5) * gamma + beta
    # selu, dropout(p=0.0) is identity
    h = jax.nn.selu(h)
    # conv2: KProp(H->C, steps=1, aggr='add', add_self_loops=True)
    h = _propagate(h, src, dst, nonloop_mask, 1)
    h = h @ W2.T + b2
    return jax.nn.softmax(h, axis=1)

if __name__ == "__main__":
    import jax
    _d = setup_inputs()
    print(jax.jit(kernel)(*tuple(_d.values())))

</pallas_src>

<mosaic_0001>
#map = affine_map<(d0, d1) -> (0, 0)>
#map1 = affine_map<(d0, d1) -> (0, 0, 0)>
module attributes {stable_mosaic.version = 14 : i64} {
  func.func @_sc_step_body(%arg0: i32, %arg1: i32, %arg2: memref<10240x16xf32, #tpu.memory_space<hbm>>, %arg3: memref<10240x16xf32, #tpu.memory_space<hbm>>, %arg4: memref<32x10240xi32, #tpu.memory_space<hbm>>, %arg5: memref<32x10240xi32, #tpu.memory_space<hbm>>, %arg6: memref<2x10240x16xf32, #tpu.memory_space<hbm>>, %arg7: memref<10256x16xf32, #tpu.memory_space<vmem_shared>>, %arg8: memref<10240xi32, #tpu.memory_space<vmem>>, %arg9: memref<10240xi32, #tpu.memory_space<vmem>>, %arg10: memref<2048x16xf32, #tpu.memory_space<vmem>>, %arg11: memref<!tpu.dma_semaphore, #tpu.memory_space<semaphore_mem>>) attributes {dimension_semantics = [#tpu.dimension_semantics<core_parallel>, #tpu.dimension_semantics<subcore_parallel>], iteration_bounds = array<i64: 2, 16>, scalar_prefetch = 0 : i64, scratch_operands = 5 : i64, tpu.core_type = #tpu.core_type<sc_vector_subcore>, window_params = [{transform_indices = #map}, {transform_indices = #map}, {transform_indices = #map}, {transform_indices = #map}, {transform_indices = #map1}]} {
    %mul3A = arith.constant 16 : i32
    %mul3A_0 = arith.muli %arg0, %mul3A : i32
    %add3A = arith.addi %mul3A_0, %arg1 : i32
    %mul3A_1 = arith.constant 640 : i32
    %mul3A_2 = arith.muli %arg1, %mul3A_1 : i32
    %eq3A = arith.constant 0 : i32
    %eq3A_3 = arith.cmpi eq, %arg0, %eq3A : i32
    %convert_element_type3A = arith.extui %eq3A_3 : i1 to i32
    %cond3A = arith.constant 0 : i32
    %cond3A_4 = arith.cmpi ne, %convert_element_type3A, %cond3A : i32
    scf.if %cond3A_4 {
      "tpu.region"() ({
        %run_scoped3A = tpu.sem_alloc : memref<!tpu.dma_semaphore, #tpu.memory_space<semaphore_mem>>
        %dma_start3A = arith.constant 0 : i32
        %dma_start3A_16 = tpu.memref_slice %arg7[%mul3A_2, %dma_start3A] : memref<10256x16xf32, #tpu.memory_space<vmem_shared>> -> memref<640x16xf32, #tpu.memory_space<vmem_shared>>
        %dma_start3A_17 = arith.constant 0 : i32
        %dma_start3A_18 = tpu.memref_slice %arg2[%mul3A_2, %dma_start3A_17] : memref<10240x16xf32, #tpu.memory_space<hbm>> -> memref<640x16xf32, #tpu.memory_space<hbm>>
        tpu.enqueue_dma source(%dma_start3A_18 : memref<640x16xf32, #tpu.memory_space<hbm>>) target(%dma_start3A_16 : memref<640x16xf32, #tpu.memory_space<vmem_shared>>) target_semaphore(%run_scoped3A : memref<!tpu.dma_semaphore, #tpu.memory_space<semaphore_mem>>)
        %dma_wait3A = arith.constant 0 : i32
        %dma_wait3A_19 = tpu.memref_slice %arg7[%mul3A_2, %dma_wait3A] : memref<10256x16xf32, #tpu.memory_space<vmem_shared>> -> memref<640x16xf32, #tpu.memory_space<vmem_shared>>
        %dma_wait3A_20 = arith.constant 0 : i32
        %dma_wait3A_21 = tpu.memref_slice %arg2[%mul3A_2, %dma_wait3A_20] : memref<10240x16xf32, #tpu.memory_space<hbm>> -> memref<640x16xf32, #tpu.memory_space<hbm>>
        tpu.wait_dma2 semaphore(%run_scoped3A : memref<!tpu.dma_semaphore, #tpu.memory_space<semaphore_mem>>) src(%dma_wait3A_21 : memref<640x16xf32, #tpu.memory_space<hbm>>) dst(%dma_wait3A_19 : memref<640x16xf32, #tpu.memory_space<vmem_shared>>)
        tpu.yield
      }) : () -> ()
    } else {
    }
    %eq3A_5 = arith.constant 1 : i32
    %eq3A_6 = arith.cmpi eq, %arg0, %eq3A_5 : i32
    %convert_element_type3A_7 = arith.extui %eq3A_6 : i1 to i32
    %cond3A_8 = arith.constant 0 : i32
    %cond3A_9 = arith.cmpi ne, %convert_element_type3A_7, %cond3A_8 : i32
    scf.if %cond3A_9 {
      "tpu.region"() ({
        %run_scoped3A = tpu.sem_alloc : memref<!tpu.dma_semaphore, #tpu.memory_space<semaphore_mem>>
        %dma_start3A = arith.constant 0 : i32
        %dma_start3A_16 = tpu.memref_slice %arg7[%mul3A_2, %dma_start3A] : memref<10256x16xf32, #tpu.memory_space<vmem_shared>> -> memref<640x16xf32, #tpu.memory_space<vmem_shared>>
        %dma_start3A_17 = arith.constant 0 : i32
        %dma_start3A_18 = tpu.memref_slice %arg3[%mul3A_2, %dma_start3A_17] : memref<10240x16xf32, #tpu.memory_space<hbm>> -> memref<640x16xf32, #tpu.memory_space<hbm>>
        tpu.enqueue_dma source(%dma_start3A_18 : memref<640x16xf32, #tpu.memory_space<hbm>>) target(%dma_start3A_16 : memref<640x16xf32, #tpu.memory_space<vmem_shared>>) target_semaphore(%run_scoped3A : memref<!tpu.dma_semaphore, #tpu.memory_space<semaphore_mem>>)
        %dma_wait3A = arith.constant 0 : i32
        %dma_wait3A_19 = tpu.memref_slice %arg7[%mul3A_2, %dma_wait3A] : memref<10256x16xf32, #tpu.memory_space<vmem_shared>> -> memref<640x16xf32, #tpu.memory_space<vmem_shared>>
        %dma_wait3A_20 = arith.constant 0 : i32
        %dma_wait3A_21 = tpu.memref_slice %arg3[%mul3A_2, %dma_wait3A_20] : memref<10240x16xf32, #tpu.memory_space<hbm>> -> memref<640x16xf32, #tpu.memory_space<hbm>>
        tpu.wait_dma2 semaphore(%run_scoped3A : memref<!tpu.dma_semaphore, #tpu.memory_space<semaphore_mem>>) src(%dma_wait3A_21 : memref<640x16xf32, #tpu.memory_space<hbm>>) dst(%dma_wait3A_19 : memref<640x16xf32, #tpu.memory_space<vmem_shared>>)
        tpu.yield
      }) : () -> ()
    } else {
    }
    "tpu.region"() ({
      %run_scoped3A = tpu.sem_alloc : memref<!tpu.dma_semaphore, #tpu.memory_space<semaphore_mem>>
      %dma_start3A = arith.constant 0 : i32
      %dma_start3A_16 = tpu.memref_slice %arg4[%add3A, %dma_start3A] : memref<32x10240xi32, #tpu.memory_space<hbm>> -> memref<1x10240xi32, #tpu.memory_space<hbm>>
      %dma_start3A_17 = tpu.memref_squeeze %dma_start3A_16 : memref<1x10240xi32, #tpu.memory_space<hbm>> -> memref<10240xi32, #tpu.memory_space<hbm>>
      %dma_start3A_18 = arith.constant 0 : i32
      %dma_start3A_19 = tpu.memref_slice %arg4[%add3A, %dma_start3A_18] : memref<32x10240xi32, #tpu.memory_space<hbm>> -> memref<1x10240xi32, #tpu.memory_space<hbm>>
      %dma_start3A_20 = tpu.memref_squeeze %dma_start3A_19 : memref<1x10240xi32, #tpu.memory_space<hbm>> -> memref<10240xi32, #tpu.memory_space<hbm>>
      tpu.enqueue_dma source(%dma_start3A_20 : memref<10240xi32, #tpu.memory_space<hbm>>) target(%arg8 : memref<10240xi32, #tpu.memory_space<vmem>>) target_semaphore(%run_scoped3A : memref<!tpu.dma_semaphore, #tpu.memory_space<semaphore_mem>>)
      %dma_wait3A = arith.constant 0 : i32
      %dma_wait3A_21 = tpu.memref_slice %arg4[%add3A, %dma_wait3A] : memref<32x10240xi32, #tpu.memory_space<hbm>> -> memref<1x10240xi32, #tpu.memory_space<hbm>>
      %dma_wait3A_22 = tpu.memref_squeeze %dma_wait3A_21 : memref<1x10240xi32, #tpu.memory_space<hbm>> -> memref<10240xi32, #tpu.memory_space<hbm>>
      %dma_wait3A_23 = arith.constant 0 : i32
      %dma_wait3A_24 = tpu.memref_slice %arg4[%add3A, %dma_wait3A_23] : memref<32x10240xi32, #tpu.memory_space<hbm>> -> memref<1x10240xi32, #tpu.memory_space<hbm>>
      %dma_wait3A_25 = tpu.memref_squeeze %dma_wait3A_24 : memref<1x10240xi32, #tpu.memory_space<hbm>> -> memref<10240xi32, #tpu.memory_space<hbm>>
      tpu.wait_dma2 semaphore(%run_scoped3A : memref<!tpu.dma_semaphore, #tpu.memory_space<semaphore_mem>>) src(%dma_wait3A_25 : memref<10240xi32, #tpu.memory_space<hbm>>) dst(%arg8 : memref<10240xi32, #tpu.memory_space<vmem>>)
      tpu.yield
    }) : () -> ()
    "tpu.region"() ({
      %run_scoped3A = tpu.sem_alloc : memref<!tpu.dma_semaphore, #tpu.memory_space<semaphore_mem>>
      %dma_start3A = arith.constant 0 : i32
      %dma_start3A_16 = tpu.memref_slice %arg5[%add3A, %dma_start3A] : memref<32x10240xi32, #tpu.memory_space<hbm>> -> memref<1x10240xi32, #tpu.memory_space<hbm>>
      %dma_start3A_17 = tpu.memref_squeeze %dma_start3A_16 : memref<1x10240xi32, #tpu.memory_space<hbm>> -> memref<10240xi32, #tpu.memory_space<hbm>>
      %dma_start3A_18 = arith.constant 0 : i32
      %dma_start3A_19 = tpu.memref_slice %arg5[%add3A, %dma_start3A_18] : memref<32x10240xi32, #tpu.memory_space<hbm>> -> memref<1x10240xi32, #tpu.memory_space<hbm>>
      %dma_start3A_20 = tpu.memref_squeeze %dma_start3A_19 : memref<1x10240xi32, #tpu.memory_space<hbm>> -> memref<10240xi32, #tpu.memory_space<hbm>>
      tpu.enqueue_dma source(%dma_start3A_20 : memref<10240xi32, #tpu.memory_space<hbm>>) target(%arg9 : memref<10240xi32, #tpu.memory_space<vmem>>) target_semaphore(%run_scoped3A : memref<!tpu.dma_semaphore, #tpu.memory_space<semaphore_mem>>)
      %dma_wait3A = arith.constant 0 : i32
      %dma_wait3A_21 = tpu.memref_slice %arg5[%add3A, %dma_wait3A] : memref<32x10240xi32, #tpu.memory_space<hbm>> -> memref<1x10240xi32, #tpu.memory_space<hbm>>
      %dma_wait3A_22 = tpu.memref_squeeze %dma_wait3A_21 : memref<1x10240xi32, #tpu.memory_space<hbm>> -> memref<10240xi32, #tpu.memory_space<hbm>>
      %dma_wait3A_23 = arith.constant 0 : i32
      %dma_wait3A_24 = tpu.memref_slice %arg5[%add3A, %dma_wait3A_23] : memref<32x10240xi32, #tpu.memory_space<hbm>> -> memref<1x10240xi32, #tpu.memory_space<hbm>>
      %dma_wait3A_25 = tpu.memref_squeeze %dma_wait3A_24 : memref<1x10240xi32, #tpu.memory_space<hbm>> -> memref<10240xi32, #tpu.memory_space<hbm>>
      tpu.wait_dma2 semaphore(%run_scoped3A : memref<!tpu.dma_semaphore, #tpu.memory_space<semaphore_mem>>) src(%dma_wait3A_25 : memref<10240xi32, #tpu.memory_space<hbm>>) dst(%arg9 : memref<10240xi32, #tpu.memory_space<vmem>>)
      tpu.yield
    }) : () -> ()
    %barrier3A = arith.constant 0 : index
    tpu.barrier barrier_id(%barrier3A)
    %scan3A = arith.constant 0 : i32
    %scan3A_10 = arith.constant 0 : i32
    %scan3A_11 = arith.constant 5 : i32
    %scan3A_12 = arith.addi %scan3A_10, %scan3A_11 : i32
    %scan3A_13 = arith.constant 1 : i32
    scf.for %scan3A_16 = %scan3A_10 to %scan3A_12 step %scan3A_13  : i32 {
      %mul3A_17 = arith.constant 2048 : i32
      %mul3A_18 = arith.muli %scan3A_16, %mul3A_17 : i32
      %dma_start3A = tpu.memref_slice %arg8[%mul3A_18] : memref<10240xi32, #tpu.memory_space<vmem>> -> memref<2048xi32, #tpu.memory_space<vmem>>
      %dma_start3A_19 = arith.constant 0 : i32
      %dma_start3A_20 = arith.constant 0 : i32
      %dma_start3A_21 = tpu.memref_slice %arg2[%dma_start3A_19, %dma_start3A_20] : memref<10240x16xf32, #tpu.memory_space<hbm>> -> memref<10240x16xf32, #tpu.memory_space<hbm>>
      tpu.enqueue_indirect_dma source(%dma_start3A_21 : memref<10240x16xf32, #tpu.memory_space<hbm>>) target(%arg10 : memref<2048x16xf32, #tpu.memory_space<vmem>>) offsets(%dma_start3A : memref<2048xi32, #tpu.memory_space<vmem>>) semaphore(%arg11 : memref<!tpu.dma_semaphore, #tpu.memory_space<semaphore_mem>>)
      %dma_wait3A = tpu.memref_slice %arg8[%mul3A_18] : memref<10240xi32, #tpu.memory_space<vmem>> -> memref<2048xi32, #tpu.memory_space<vmem>>
      %dma_wait3A_22 = arith.constant 0 : i32
      %dma_wait3A_23 = arith.constant 0 : i32
      %dma_wait3A_24 = tpu.memref_slice %arg2[%dma_wait3A_22, %dma_wait3A_23] : memref<10240x16xf32, #tpu.memory_space<hbm>> -> memref<10240x16xf32, #tpu.memory_space<hbm>>
      tpu.wait_indirect_dma semaphore(%arg11 : memref<!tpu.dma_semaphore, #tpu.memory_space<semaphore_mem>>) src(%dma_wait3A_24 : memref<10240x16xf32, #tpu.memory_space<hbm>>) dst(%arg10 : memref<2048x16xf32, #tpu.memory_space<vmem>>)
      "tpu.region"() ({
        %run_scoped3A = tpu.sem_alloc : memref<!tpu.dma_semaphore, #tpu.memory_space<semaphore_mem>>
        %dma_start3A_25 = tpu.memref_slice %arg9[%mul3A_18] : memref<10240xi32, #tpu.memory_space<vmem>> -> memref<2048xi32, #tpu.memory_space<vmem>>
        %dma_start3A_26 = arith.constant 0 : i32
        %dma_start3A_27 = arith.constant 0 : i32
        %dma_start3A_28 = tpu.memref_slice %arg7[%dma_start3A_26, %dma_start3A_27] : memref<10256x16xf32, #tpu.memory_space<vmem_shared>> -> memref<10256x16xf32, #tpu.memory_space<vmem_shared>>
        tpu.enqueue_indirect_dma source(%arg10 : memref<2048x16xf32, #tpu.memory_space<vmem>>) target(%dma_start3A_28 : memref<10256x16xf32, #tpu.memory_space<vmem_shared>>) offsets(%dma_start3A_25 : memref<2048xi32, #tpu.memory_space<vmem>>) semaphore(%run_scoped3A : memref<!tpu.dma_semaphore, #tpu.memory_space<semaphore_mem>>) {add = true}
        %dma_wait3A_29 = tpu.memref_slice %arg9[%mul3A_18] : memref<10240xi32, #tpu.memory_space<vmem>> -> memref<2048xi32, #tpu.memory_space<vmem>>
        %dma_wait3A_30 = arith.constant 0 : i32
        %dma_wait3A_31 = arith.constant 0 : i32
        %dma_wait3A_32 = tpu.memref_slice %arg7[%dma_wait3A_30, %dma_wait3A_31] : memref<10256x16xf32, #tpu.memory_space<vmem_shared>> -> memref<10256x16xf32, #tpu.memory_space<vmem_shared>>
        tpu.wait_indirect_dma semaphore(%run_scoped3A : memref<!tpu.dma_semaphore, #tpu.memory_space<semaphore_mem>>) src(%arg10 : memref<2048x16xf32, #tpu.memory_space<vmem>>) dst(%dma_wait3A_32 : memref<10256x16xf32, #tpu.memory_space<vmem_shared>>)
        tpu.yield
      }) : () -> ()
    }
    %scan3A_14 = arith.constant 5 : i32
    %barrier3A_15 = arith.constant 0 : index
    tpu.barrier barrier_id(%barrier3A_15)
    "tpu.region"() ({
      %run_scoped3A = tpu.sem_alloc : memref<!tpu.dma_semaphore, #tpu.memory_space<semaphore_mem>>
      %dma_start3A = arith.constant 0 : i32
      %dma_start3A_16 = tpu.memref_slice %arg6[%arg0, %mul3A_2, %dma_start3A] : memref<2x10240x16xf32, #tpu.memory_space<hbm>> -> memref<1x640x16xf32, #tpu.memory_space<hbm>>
      %dma_start3A_17 = tpu.memref_squeeze %dma_start3A_16 : memref<1x640x16xf32, #tpu.memory_space<hbm>> -> memref<640x16xf32, #tpu.memory_space<hbm>>
      %dma_start3A_18 = arith.constant 0 : i32
      %dma_start3A_19 = tpu.memref_slice %arg7[%mul3A_2, %dma_start3A_18] : memref<10256x16xf32, #tpu.memory_space<vmem_shared>> -> memref<640x16xf32, #tpu.memory_space<vmem_shared>>
      tpu.enqueue_dma source(%dma_start3A_19 : memref<640x16xf32, #tpu.memory_space<vmem_shared>>) target(%dma_start3A_17 : memref<640x16xf32, #tpu.memory_space<hbm>>) target_semaphore(%run_scoped3A : memref<!tpu.dma_semaphore, #tpu.memory_space<semaphore_mem>>)
      %dma_wait3A = arith.constant 0 : i32
      %dma_wait3A_20 = tpu.memref_slice %arg6[%arg0, %mul3A_2, %dma_wait3A] : memref<2x10240x16xf32, #tpu.memory_space<hbm>> -> memref<1x640x16xf32, #tpu.memory_space<hbm>>
      %dma_wait3A_21 = tpu.memref_squeeze %dma_wait3A_20 : memref<1x640x16xf32, #tpu.memory_space<hbm>> -> memref<640x16xf32, #tpu.memory_space<hbm>>
      %dma_wait3A_22 = arith.constant 0 : i32
      %dma_wait3A_23 = tpu.memref_slice %arg7[%mul3A_2, %dma_wait3A_22] : memref<10256x16xf32, #tpu.memory_space<vmem_shared>> -> memref<640x16xf32, #tpu.memory_space<vmem_shared>>
      tpu.wait_dma2 semaphore(%run_scoped3A : memref<!tpu.dma_semaphore, #tpu.memory_space<semaphore_mem>>) src(%dma_wait3A_23 : memref<640x16xf32, #tpu.memory_space<vmem_shared>>) dst(%dma_wait3A_21 : memref<640x16xf32, #tpu.memory_space<hbm>>)
      tpu.yield
    }) : () -> ()
    return
  }
}

#map = affine_map<(d0, d1) -> (0, 0)>
#map1 = affine_map<(d0, d1) -> (0, 0, 0)>
module attributes {stable_mosaic.version = 14 : i64} {
  func.func @_sc_step_body(%arg0: i32, %arg1: i32, %arg2: memref<10240x16xf32, #tpu.memory_space<hbm>>, %arg3: memref<10240x16xf32, #tpu.memory_space<hbm>>, %arg4: memref<32x10240xi32, #tpu.memory_space<hbm>>, %arg5: memref<32x10240xi32, #tpu.memory_space<hbm>>, %arg6: memref<2x10240x16xf32, #tpu.memory_space<hbm>>, %arg7: memref<10256x16xf32, #tpu.memory_space<vmem_shared>>, %arg8: memref<10240xi32, #tpu.memory_space<vmem>>, %arg9: memref<10240xi32, #tpu.memory_space<vmem>>, %arg10: memref<2048x16xf32, #tpu.memory_space<vmem>>, %arg11: memref<!tpu.dma_semaphore, #tpu.memory_space<semaphore_mem>>) attributes {dimension_semantics = [#tpu.dimension_semantics<core_parallel>, #tpu.dimension_semantics<subcore_parallel>], iteration_bounds = array<i64: 2, 16>, scalar_prefetch = 0 : i64, scratch_operands = 5 : i64, tpu.core_type = #tpu.core_type<sc_vector_subcore>, window_params = [{transform_indices = #map}, {transform_indices = #map}, {transform_indices = #map}, {transform_indices = #map}, {transform_indices = #map1}]} {
    %mul3A = arith.constant 16 : i32
    %mul3A_0 = arith.muli %arg0, %mul3A : i32
    %add3A = arith.addi %mul3A_0, %arg1 : i32
    %mul3A_1 = arith.constant 640 : i32
    %mul3A_2 = arith.muli %arg1, %mul3A_1 : i32
    %eq3A = arith.constant 0 : i32
    %eq3A_3 = arith.cmpi eq, %arg0, %eq3A : i32
    %convert_element_type3A = arith.extui %eq3A_3 : i1 to i32
    %cond3A = arith.constant 0 : i32
    %cond3A_4 = arith.cmpi ne, %convert_element_type3A, %cond3A : i32
    scf.if %cond3A_4 {
      "tpu.region"() ({
        %run_scoped3A = tpu.sem_alloc : memref<!tpu.dma_semaphore, #tpu.memory_space<semaphore_mem>>
        %dma_start3A = arith.constant 0 : i32
        %dma_start3A_16 = tpu.memref_slice %arg7[%mul3A_2, %dma_start3A] : memref<10256x16xf32, #tpu.memory_space<vmem_shared>> -> memref<640x16xf32, #tpu.memory_space<vmem_shared>>
        %dma_start3A_17 = arith.constant 0 : i32
        %dma_start3A_18 = tpu.memref_slice %arg2[%mul3A_2, %dma_start3A_17] : memref<10240x16xf32, #tpu.memory_space<hbm>> -> memref<640x16xf32, #tpu.memory_space<hbm>>
        tpu.enqueue_dma source(%dma_start3A_18 : memref<640x16xf32, #tpu.memory_space<hbm>>) target(%dma_start3A_16 : memref<640x16xf32, #tpu.memory_space<vmem_shared>>) target_semaphore(%run_scoped3A : memref<!tpu.dma_semaphore, #tpu.memory_space<semaphore_mem>>)
        %dma_wait3A = arith.constant 0 : i32
        %dma_wait3A_19 = tpu.memref_slice %arg7[%mul3A_2, %dma_wait3A] : memref<10256x16xf32, #tpu.memory_space<vmem_shared>> -> memref<640x16xf32, #tpu.memory_space<vmem_shared>>
        %dma_wait3A_20 = arith.constant 0 : i32
        %dma_wait3A_21 = tpu.memref_slice %arg2[%mul3A_2, %dma_wait3A_20] : memref<10240x16xf32, #tpu.memory_space<hbm>> -> memref<640x16xf32, #tpu.memory_space<hbm>>
        tpu.wait_dma2 semaphore(%run_scoped3A : memref<!tpu.dma_semaphore, #tpu.memory_space<semaphore_mem>>) src(%dma_wait3A_21 : memref<640x16xf32, #tpu.memory_space<hbm>>) dst(%dma_wait3A_19 : memref<640x16xf32, #tpu.memory_space<vmem_shared>>)
        tpu.yield
      }) : () -> ()
    } else {
    }
    %eq3A_5 = arith.constant 1 : i32
    %eq3A_6 = arith.cmpi eq, %arg0, %eq3A_5 : i32
    %convert_element_type3A_7 = arith.extui %eq3A_6 : i1 to i32
    %cond3A_8 = arith.constant 0 : i32
    %cond3A_9 = arith.cmpi ne, %convert_element_type3A_7, %cond3A_8 : i32
    scf.if %cond3A_9 {
      "tpu.region"() ({
        %run_scoped3A = tpu.sem_alloc : memref<!tpu.dma_semaphore, #tpu.memory_space<semaphore_mem>>
        %dma_start3A = arith.constant 0 : i32
        %dma_start3A_16 = tpu.memref_slice %arg7[%mul3A_2, %dma_start3A] : memref<10256x16xf32, #tpu.memory_space<vmem_shared>> -> memref<640x16xf32, #tpu.memory_space<vmem_shared>>
        %dma_start3A_17 = arith.constant 0 : i32
        %dma_start3A_18 = tpu.memref_slice %arg3[%mul3A_2, %dma_start3A_17] : memref<10240x16xf32, #tpu.memory_space<hbm>> -> memref<640x16xf32, #tpu.memory_space<hbm>>
        tpu.enqueue_dma source(%dma_start3A_18 : memref<640x16xf32, #tpu.memory_space<hbm>>) target(%dma_start3A_16 : memref<640x16xf32, #tpu.memory_space<vmem_shared>>) target_semaphore(%run_scoped3A : memref<!tpu.dma_semaphore, #tpu.memory_space<semaphore_mem>>)
        %dma_wait3A = arith.constant 0 : i32
        %dma_wait3A_19 = tpu.memref_slice %arg7[%mul3A_2, %dma_wait3A] : memref<10256x16xf32, #tpu.memory_space<vmem_shared>> -> memref<640x16xf32, #tpu.memory_space<vmem_shared>>
        %dma_wait3A_20 = arith.constant 0 : i32
        %dma_wait3A_21 = tpu.memref_slice %arg3[%mul3A_2, %dma_wait3A_20] : memref<10240x16xf32, #tpu.memory_space<hbm>> -> memref<640x16xf32, #tpu.memory_space<hbm>>
        tpu.wait_dma2 semaphore(%run_scoped3A : memref<!tpu.dma_semaphore, #tpu.memory_space<semaphore_mem>>) src(%dma_wait3A_21 : memref<640x16xf32, #tpu.memory_space<hbm>>) dst(%dma_wait3A_19 : memref<640x16xf32, #tpu.memory_space<vmem_shared>>)
        tpu.yield
      }) : () -> ()
    } else {
    }
    "tpu.region"() ({
      %run_scoped3A = tpu.sem_alloc : memref<!tpu.dma_semaphore, #tpu.memory_space<semaphore_mem>>
      %dma_start3A = arith.constant 0 : i32
      %dma_start3A_16 = tpu.memref_slice %arg4[%add3A, %dma_start3A] : memref<32x10240xi32, #tpu.memory_space<hbm>> -> memref<1x10240xi32, #tpu.memory_space<hbm>>
      %dma_start3A_17 = tpu.memref_squeeze %dma_start3A_16 : memref<1x10240xi32, #tpu.memory_space<hbm>> -> memref<10240xi32, #tpu.memory_space<hbm>>
      %dma_start3A_18 = arith.constant 0 : i32
      %dma_start3A_19 = tpu.memref_slice %arg4[%add3A, %dma_start3A_18] : memref<32x10240xi32, #tpu.memory_space<hbm>> -> memref<1x10240xi32, #tpu.memory_space<hbm>>
      %dma_start3A_20 = tpu.memref_squeeze %dma_start3A_19 : memref<1x10240xi32, #tpu.memory_space<hbm>> -> memref<10240xi32, #tpu.memory_space<hbm>>
      tpu.enqueue_dma source(%dma_start3A_20 : memref<10240xi32, #tpu.memory_space<hbm>>) target(%arg8 : memref<10240xi32, #tpu.memory_space<vmem>>) target_semaphore(%run_scoped3A : memref<!tpu.dma_semaphore, #tpu.memory_space<semaphore_mem>>)
      %dma_wait3A = arith.constant 0 : i32
      %dma_wait3A_21 = tpu.memref_slice %arg4[%add3A, %dma_wait3A] : memref<32x10240xi32, #tpu.memory_space<hbm>> -> memref<1x10240xi32, #tpu.memory_space<hbm>>
      %dma_wait3A_22 = tpu.memref_squeeze %dma_wait3A_21 : memref<1x10240xi32, #tpu.memory_space<hbm>> -> memref<10240xi32, #tpu.memory_space<hbm>>
      %dma_wait3A_23 = arith.constant 0 : i32
      %dma_wait3A_24 = tpu.memref_slice %arg4[%add3A, %dma_wait3A_23] : memref<32x10240xi32, #tpu.memory_space<hbm>> -> memref<1x10240xi32, #tpu.memory_space<hbm>>
      %dma_wait3A_25 = tpu.memref_squeeze %dma_wait3A_24 : memref<1x10240xi32, #tpu.memory_space<hbm>> -> memref<10240xi32, #tpu.memory_space<hbm>>
      tpu.wait_dma2 semaphore(%run_scoped3A : memref<!tpu.dma_semaphore, #tpu.memory_space<semaphore_mem>>) src(%dma_wait3A_25 : memref<10240xi32, #tpu.memory_space<hbm>>) dst(%arg8 : memref<10240xi32, #tpu.memory_space<vmem>>)
      tpu.yield
    }) : () -> ()
    "tpu.region"() ({
      %run_scoped3A = tpu.sem_alloc : memref<!tpu.dma_semaphore, #tpu.memory_space<semaphore_mem>>
      %dma_start3A = arith.constant 0 : i32
      %dma_start3A_16 = tpu.memref_slice %arg5[%add3A, %dma_start3A] : memref<32x10240xi32, #tpu.memory_space<hbm>> -> memref<1x10240xi32, #tpu.memory_space<hbm>>
      %dma_start3A_17 = tpu.memref_squeeze %dma_start3A_16 : memref<1x10240xi32, #tpu.memory_space<hbm>> -> memref<10240xi32, #tpu.memory_space<hbm>>
      %dma_start3A_18 = arith.constant 0 : i32
      %dma_start3A_19 = tpu.memref_slice %arg5[%add3A, %dma_start3A_18] : memref<32x10240xi32, #tpu.memory_space<hbm>> -> memref<1x10240xi32, #tpu.memory_space<hbm>>
      %dma_start3A_20 = tpu.memref_squeeze %dma_start3A_19 : memref<1x10240xi32, #tpu.memory_space<hbm>> -> memref<10240xi32, #tpu.memory_space<hbm>>
      tpu.enqueue_dma source(%dma_start3A_20 : memref<10240xi32, #tpu.memory_space<hbm>>) target(%arg9 : memref<10240xi32, #tpu.memory_space<vmem>>) target_semaphore(%run_scoped3A : memref<!tpu.dma_semaphore, #tpu.memory_space<semaphore_mem>>)
      %dma_wait3A = arith.constant 0 : i32
      %dma_wait3A_21 = tpu.memref_slice %arg5[%add3A, %dma_wait3A] : memref<32x10240xi32, #tpu.memory_space<hbm>> -> memref<1x10240xi32, #tpu.memory_space<hbm>>
      %dma_wait3A_22 = tpu.memref_squeeze %dma_wait3A_21 : memref<1x10240xi32, #tpu.memory_space<hbm>> -> memref<10240xi32, #tpu.memory_space<hbm>>
      %dma_wait3A_23 = arith.constant 0 : i32
      %dma_wait3A_24 = tpu.memref_slice %arg5[%add3A, %dma_wait3A_23] : memref<32x10240xi32, #tpu.memory_space<hbm>> -> memref<1x10240xi32, #tpu.memory_space<hbm>>
      %dma_wait3A_25 = tpu.memref_squeeze %dma_wait3A_24 : memref<1x10240xi32, #tpu.memory_space<hbm>> -> memref<10240xi32, #tpu.memory_space<hbm>>
      tpu.wait_dma2 semaphore(%run_scoped3A : memref<!tpu.dma_semaphore, #tpu.memory_space<semaphore_mem>>) src(%dma_wait3A_25 : memref<10240xi32, #tpu.memory_space<hbm>>) dst(%arg9 : memref<10240xi32, #tpu.memory_space<vmem>>)
      tpu.yield
    }) : () -> ()
    %barrier3A = arith.constant 0 : index
    tpu.barrier barrier_id(%barrier3A)
    %scan3A = arith.constant 0 : i32
    %scan3A_10 = arith.constant 0 : i32
    %scan3A_11 = arith.constant 5 : i32
    %scan3A_12 = arith.addi %scan3A_10, %scan3A_11 : i32
    %scan3A_13 = arith.constant 1 : i32
    scf.for %scan3A_16 = %scan3A_10 to %scan3A_12 step %scan3A_13  : i32 {
      %mul3A_17 = arith.constant 2048 : i32
      %mul3A_18 = arith.muli %scan3A_16, %mul3A_17 : i32
      %dma_start3A = tpu.memref_slice %arg8[%mul3A_18] : memref<10240xi32, #tpu.memory_space<vmem>> -> memref<2048xi32, #tpu.memory_space<vmem>>
      %dma_start3A_19 = arith.constant 0 : i32
      %dma_start3A_20 = arith.constant 0 : i32
      %dma_start3A_21 = tpu.memref_slice %arg2[%dma_start3A_19, %dma_start3A_20] : memref<10240x16xf32, #tpu.memory_space<hbm>> -> memref<10240x16xf32, #tpu.memory_space<hbm>>
      tpu.enqueue_indirect_dma source(%dma_start3A_21 : memref<10240x16xf32, #tpu.memory_space<hbm>>) target(%arg10 : memref<2048x16xf32, #tpu.memory_space<vmem>>) offsets(%dma_start3A : memref<2048xi32, #tpu.memory_space<vmem>>) semaphore(%arg11 : memref<!tpu.dma_semaphore, #tpu.memory_space<semaphore_mem>>)
      %dma_wait3A = tpu.memref_slice %arg8[%mul3A_18] : memref<10240xi32, #tpu.memory_space<vmem>> -> memref<2048xi32, #tpu.memory_space<vmem>>
      %dma_wait3A_22 = arith.constant 0 : i32
      %dma_wait3A_23 = arith.constant 0 : i32
      %dma_wait3A_24 = tpu.memref_slice %arg2[%dma_wait3A_22, %dma_wait3A_23] : memref<10240x16xf32, #tpu.memory_space<hbm>> -> memref<10240x16xf32, #tpu.memory_space<hbm>>
      tpu.wait_indirect_dma semaphore(%arg11 : memref<!tpu.dma_semaphore, #tpu.memory_space<semaphore_mem>>) src(%dma_wait3A_24 : memref<10240x16xf32, #tpu.memory_space<hbm>>) dst(%arg10 : memref<2048x16xf32, #tpu.memory_space<vmem>>)
      "tpu.region"() ({
        %run_scoped3A = tpu.sem_alloc : memref<!tpu.dma_semaphore, #tpu.memory_space<semaphore_mem>>
        %dma_start3A_25 = tpu.memref_slice %arg9[%mul3A_18] : memref<10240xi32, #tpu.memory_space<vmem>> -> memref<2048xi32, #tpu.memory_space<vmem>>
        %dma_start3A_26 = arith.constant 0 : i32
        %dma_start3A_27 = arith.constant 0 : i32
        %dma_start3A_28 = tpu.memref_slice %arg7[%dma_start3A_26, %dma_start3A_27] : memref<10256x16xf32, #tpu.memory_space<vmem_shared>> -> memref<10256x16xf32, #tpu.memory_space<vmem_shared>>
        tpu.enqueue_indirect_dma source(%arg10 : memref<2048x16xf32, #tpu.memory_space<vmem>>) target(%dma_start3A_28 : memref<10256x16xf32, #tpu.memory_space<vmem_shared>>) offsets(%dma_start3A_25 : memref<2048xi32, #tpu.memory_space<vmem>>) semaphore(%run_scoped3A : memref<!tpu.dma_semaphore, #tpu.memory_space<semaphore_mem>>) {add = true}
        %dma_wait3A_29 = tpu.memref_slice %arg9[%mul3A_18] : memref<10240xi32, #tpu.memory_space<vmem>> -> memref<2048xi32, #tpu.memory_space<vmem>>
        %dma_wait3A_30 = arith.constant 0 : i32
        %dma_wait3A_31 = arith.constant 0 : i32
        %dma_wait3A_32 = tpu.memref_slice %arg7[%dma_wait3A_30, %dma_wait3A_31] : memref<10256x16xf32, #tpu.memory_space<vmem_shared>> -> memref<10256x16xf32, #tpu.memory_space<vmem_shared>>
        tpu.wait_indirect_dma semaphore(%run_scoped3A : memref<!tpu.dma_semaphore, #tpu.memory_space<semaphore_mem>>) src(%arg10 : memref<2048x16xf32, #tpu.memory_space<vmem>>) dst(%dma_wait3A_32 : memref<10256x16xf32, #tpu.memory_space<vmem_shared>>)
        tpu.yield
      }) : () -> ()
    }
    %scan3A_14 = arith.constant 5 : i32
    %barrier3A_15 = arith.constant 0 : index
    tpu.barrier barrier_id(%barrier3A_15)
    "tpu.region"() ({
      %run_scoped3A = tpu.sem_alloc : memref<!tpu.dma_semaphore, #tpu.memory_space<semaphore_mem>>
      %dma_start3A = arith.constant 0 : i32
      %dma_start3A_16 = tpu.memref_slice %arg6[%arg0, %mul3A_2, %dma_start3A] : memref<2x10240x16xf32, #tpu.memory_space<hbm>> -> memref<1x640x16xf32, #tpu.memory_space<hbm>>
      %dma_start3A_17 = tpu.memref_squeeze %dma_start3A_16 : memref<1x640x16xf32, #tpu.memory_space<hbm>> -> memref<640x16xf32, #tpu.memory_space<hbm>>
      %dma_start3A_18 = arith.constant 0 : i32
      %dma_start3A_19 = tpu.memref_slice %arg7[%mul3A_2, %dma_start3A_18] : memref<10256x16xf32, #tpu.memory_space<vmem_shared>> -> memref<640x16xf32, #tpu.memory_space<vmem_shared>>
      tpu.enqueue_dma source(%dma_start3A_19 : memref<640x16xf32, #tpu.memory_space<vmem_shared>>) target(%dma_start3A_17 : memref<640x16xf32, #tpu.memory_space<hbm>>) target_semaphore(%run_scoped3A : memref<!tpu.dma_semaphore, #tpu.memory_space<semaphore_mem>>)
      %dma_wait3A = arith.constant 0 : i32
      %dma_wait3A_20 = tpu.memref_slice %arg6[%arg0, %mul3A_2, %dma_wait3A] : memref<2x10240x16xf32, #tpu.memory_space<hbm>> -> memref<1x640x16xf32, #tpu.memory_space<hbm>>
      %dma_wait3A_21 = tpu.memref_squeeze %dma_wait3A_20 : memref<1x640x16xf32, #tpu.memory_space<hbm>> -> memref<640x16xf32, #tpu.memory_space<hbm>>
      %dma_wait3A_22 = arith.constant 0 : i32
      %dma_wait3A_23 = tpu.memref_slice %arg7[%mul3A_2, %dma_wait3A_22] : memref<10256x16xf32, #tpu.memory_space<vmem_shared>> -> memref<640x16xf32, #tpu.memory_space<vmem_shared>>
      tpu.wait_dma2 semaphore(%run_scoped3A : memref<!tpu.dma_semaphore, #tpu.memory_space<semaphore_mem>>) src(%dma_wait3A_23 : memref<640x16xf32, #tpu.memory_space<vmem_shared>>) dst(%dma_wait3A_21 : memref<640x16xf32, #tpu.memory_space<hbm>>)
      tpu.yield
    }) : () -> ()
    return
  }
}

#map = affine_map<(d0, d1) -> (0, 0)>
#map1 = affine_map<(d0, d1) -> (0, 0, 0)>
module attributes {stable_mosaic.version = 14 : i64} {
  func.func @_sc_step_body(%arg0: i32, %arg1: i32, %arg2: memref<10240x16xf32, #tpu.memory_space<hbm>>, %arg3: memref<10240x16xf32, #tpu.memory_space<hbm>>, %arg4: memref<32x10240xi32, #tpu.memory_space<hbm>>, %arg5: memref<32x10240xi32, #tpu.memory_space<hbm>>, %arg6: memref<2x10240x16xf32, #tpu.memory_space<hbm>>, %arg7: memref<10256x16xf32, #tpu.memory_space<vmem_shared>>, %arg8: memref<10240xi32, #tpu.memory_space<vmem>>, %arg9: memref<10240xi32, #tpu.memory_space<vmem>>, %arg10: memref<2048x16xf32, #tpu.memory_space<vmem>>, %arg11: memref<!tpu.dma_semaphore, #tpu.memory_space<semaphore_mem>>) attributes {dimension_semantics = [#tpu.dimension_semantics<core_parallel>, #tpu.dimension_semantics<subcore_parallel>], iteration_bounds = array<i64: 2, 16>, scalar_prefetch = 0 : i64, scratch_operands = 5 : i64, tpu.core_type = #tpu.core_type<sc_vector_subcore>, window_params = [{transform_indices = #map}, {transform_indices = #map}, {transform_indices = #map}, {transform_indices = #map}, {transform_indices = #map1}]} {
    %mul3A = arith.constant 16 : i32
    %mul3A_0 = arith.muli %arg0, %mul3A : i32
    %add3A = arith.addi %mul3A_0, %arg1 : i32
    %mul3A_1 = arith.constant 640 : i32
    %mul3A_2 = arith.muli %arg1, %mul3A_1 : i32
    %eq3A = arith.constant 0 : i32
    %eq3A_3 = arith.cmpi eq, %arg0, %eq3A : i32
    %convert_element_type3A = arith.extui %eq3A_3 : i1 to i32
    %cond3A = arith.constant 0 : i32
    %cond3A_4 = arith.cmpi ne, %convert_element_type3A, %cond3A : i32
    scf.if %cond3A_4 {
      "tpu.region"() ({
        %run_scoped3A = tpu.sem_alloc : memref<!tpu.dma_semaphore, #tpu.memory_space<semaphore_mem>>
        %dma_start3A = arith.constant 0 : i32
        %dma_start3A_16 = tpu.memref_slice %arg7[%mul3A_2, %dma_start3A] : memref<10256x16xf32, #tpu.memory_space<vmem_shared>> -> memref<640x16xf32, #tpu.memory_space<vmem_shared>>
        %dma_start3A_17 = arith.constant 0 : i32
        %dma_start3A_18 = tpu.memref_slice %arg2[%mul3A_2, %dma_start3A_17] : memref<10240x16xf32, #tpu.memory_space<hbm>> -> memref<640x16xf32, #tpu.memory_space<hbm>>
        tpu.enqueue_dma source(%dma_start3A_18 : memref<640x16xf32, #tpu.memory_space<hbm>>) target(%dma_start3A_16 : memref<640x16xf32, #tpu.memory_space<vmem_shared>>) target_semaphore(%run_scoped3A : memref<!tpu.dma_semaphore, #tpu.memory_space<semaphore_mem>>)
        %dma_wait3A = arith.constant 0 : i32
        %dma_wait3A_19 = tpu.memref_slice %arg7[%mul3A_2, %dma_wait3A] : memref<10256x16xf32, #tpu.memory_space<vmem_shared>> -> memref<640x16xf32, #tpu.memory_space<vmem_shared>>
        %dma_wait3A_20 = arith.constant 0 : i32
        %dma_wait3A_21 = tpu.memref_slice %arg2[%mul3A_2, %dma_wait3A_20] : memref<10240x16xf32, #tpu.memory_space<hbm>> -> memref<640x16xf32, #tpu.memory_space<hbm>>
        tpu.wait_dma2 semaphore(%run_scoped3A : memref<!tpu.dma_semaphore, #tpu.memory_space<semaphore_mem>>) src(%dma_wait3A_21 : memref<640x16xf32, #tpu.memory_space<hbm>>) dst(%dma_wait3A_19 : memref<640x16xf32, #tpu.memory_space<vmem_shared>>)
        tpu.yield
      }) : () -> ()
    } else {
    }
    %eq3A_5 = arith.constant 1 : i32
    %eq3A_6 = arith.cmpi eq, %arg0, %eq3A_5 : i32
    %convert_element_type3A_7 = arith.extui %eq3A_6 : i1 to i32
    %cond3A_8 = arith.constant 0 : i32
    %cond3A_9 = arith.cmpi ne, %convert_element_type3A_7, %cond3A_8 : i32
    scf.if %cond3A_9 {
      "tpu.region"() ({
        %run_scoped3A = tpu.sem_alloc : memref<!tpu.dma_semaphore, #tpu.memory_space<semaphore_mem>>
        %dma_start3A = arith.constant 0 : i32
        %dma_start3A_16 = tpu.memref_slice %arg7[%mul3A_2, %dma_start3A] : memref<10256x16xf32, #tpu.memory_space<vmem_shared>> -> memref<640x16xf32, #tpu.memory_space<vmem_shared>>
        %dma_start3A_17 = arith.constant 0 : i32
        %dma_start3A_18 = tpu.memref_slice %arg3[%mul3A_2, %dma_start3A_17] : memref<10240x16xf32, #tpu.memory_space<hbm>> -> memref<640x16xf32, #tpu.memory_space<hbm>>
        tpu.enqueue_dma source(%dma_start3A_18 : memref<640x16xf32, #tpu.memory_space<hbm>>) target(%dma_start3A_16 : memref<640x16xf32, #tpu.memory_space<vmem_shared>>) target_semaphore(%run_scoped3A : memref<!tpu.dma_semaphore, #tpu.memory_space<semaphore_mem>>)
        %dma_wait3A = arith.constant 0 : i32
        %dma_wait3A_19 = tpu.memref_slice %arg7[%mul3A_2, %dma_wait3A] : memref<10256x16xf32, #tpu.memory_space<vmem_shared>> -> memref<640x16xf32, #tpu.memory_space<vmem_shared>>
        %dma_wait3A_20 = arith.constant 0 : i32
        %dma_wait3A_21 = tpu.memref_slice %arg3[%mul3A_2, %dma_wait3A_20] : memref<10240x16xf32, #tpu.memory_space<hbm>> -> memref<640x16xf32, #tpu.memory_space<hbm>>
        tpu.wait_dma2 semaphore(%run_scoped3A : memref<!tpu.dma_semaphore, #tpu.memory_space<semaphore_mem>>) src(%dma_wait3A_21 : memref<640x16xf32, #tpu.memory_space<hbm>>) dst(%dma_wait3A_19 : memref<640x16xf32, #tpu.memory_space<vmem_shared>>)
        tpu.yield
      }) : () -> ()
    } else {
    }
    "tpu.region"() ({
      %run_scoped3A = tpu.sem_alloc : memref<!tpu.dma_semaphore, #tpu.memory_space<semaphore_mem>>
      %dma_start3A = arith.constant 0 : i32
      %dma_start3A_16 = tpu.memref_slice %arg4[%add3A, %dma_start3A] : memref<32x10240xi32, #tpu.memory_space<hbm>> -> memref<1x10240xi32, #tpu.memory_space<hbm>>
      %dma_start3A_17 = tpu.memref_squeeze %dma_start3A_16 : memref<1x10240xi32, #tpu.memory_space<hbm>> -> memref<10240xi32, #tpu.memory_space<hbm>>
      %dma_start3A_18 = arith.constant 0 : i32
      %dma_start3A_19 = tpu.memref_slice %arg4[%add3A, %dma_start3A_18] : memref<32x10240xi32, #tpu.memory_space<hbm>> -> memref<1x10240xi32, #tpu.memory_space<hbm>>
      %dma_start3A_20 = tpu.memref_squeeze %dma_start3A_19 : memref<1x10240xi32, #tpu.memory_space<hbm>> -> memref<10240xi32, #tpu.memory_space<hbm>>
      tpu.enqueue_dma source(%dma_start3A_20 : memref<10240xi32, #tpu.memory_space<hbm>>) target(%arg8 : memref<10240xi32, #tpu.memory_space<vmem>>) target_semaphore(%run_scoped3A : memref<!tpu.dma_semaphore, #tpu.memory_space<semaphore_mem>>)
      %dma_wait3A = arith.constant 0 : i32
      %dma_wait3A_21 = tpu.memref_slice %arg4[%add3A, %dma_wait3A] : memref<32x10240xi32, #tpu.memory_space<hbm>> -> memref<1x10240xi32, #tpu.memory_space<hbm>>
      %dma_wait3A_22 = tpu.memref_squeeze %dma_wait3A_21 : memref<1x10240xi32, #tpu.memory_space<hbm>> -> memref<10240xi32, #tpu.memory_space<hbm>>
      %dma_wait3A_23 = arith.constant 0 : i32
      %dma_wait3A_24 = tpu.memref_slice %arg4[%add3A, %dma_wait3A_23] : memref<32x10240xi32, #tpu.memory_space<hbm>> -> memref<1x10240xi32, #tpu.memory_space<hbm>>
      %dma_wait3A_25 = tpu.memref_squeeze %dma_wait3A_24 : memref<1x10240xi32, #tpu.memory_space<hbm>> -> memref<10240xi32, #tpu.memory_space<hbm>>
      tpu.wait_dma2 semaphore(%run_scoped3A : memref<!tpu.dma_semaphore, #tpu.memory_space<semaphore_mem>>) src(%dma_wait3A_25 : memref<10240xi32, #tpu.memory_space<hbm>>) dst(%arg8 : memref<10240xi32, #tpu.memory_space<vmem>>)
      tpu.yield
    }) : () -> ()
    "tpu.region"() ({
      %run_scoped3A = tpu.sem_alloc : memref<!tpu.dma_semaphore, #tpu.memory_space<semaphore_mem>>
      %dma_start3A = arith.constant 0 : i32
      %dma_start3A_16 = tpu.memref_slice %arg5[%add3A, %dma_start3A] : memref<32x10240xi32, #tpu.memory_space<hbm>> -> memref<1x10240xi32, #tpu.memory_space<hbm>>
      %dma_start3A_17 = tpu.memref_squeeze %dma_start3A_16 : memref<1x10240xi32, #tpu.memory_space<hbm>> -> memref<10240xi32, #tpu.memory_space<hbm>>
      %dma_start3A_18 = arith.constant 0 : i32
      %dma_start3A_19 = tpu.memref_slice %arg5[%add3A, %dma_start3A_18] : memref<32x10240xi32, #tpu.memory_space<hbm>> -> memref<1x10240xi32, #tpu.memory_space<hbm>>
      %dma_start3A_20 = tpu.memref_squeeze %dma_start3A_19 : memref<1x10240xi32, #tpu.memory_space<hbm>> -> memref<10240xi32, #tpu.memory_space<hbm>>
      tpu.enqueue_dma source(%dma_start3A_20 : memref<10240xi32, #tpu.memory_space<hbm>>) target(%arg9 : memref<10240xi32, #tpu.memory_space<vmem>>) target_semaphore(%run_scoped3A : memref<!tpu.dma_semaphore, #tpu.memory_space<semaphore_mem>>)
      %dma_wait3A = arith.constant 0 : i32
      %dma_wait3A_21 = tpu.memref_slice %arg5[%add3A, %dma_wait3A] : memref<32x10240xi32, #tpu.memory_space<hbm>> -> memref<1x10240xi32, #tpu.memory_space<hbm>>
      %dma_wait3A_22 = tpu.memref_squeeze %dma_wait3A_21 : memref<1x10240xi32, #tpu.memory_space<hbm>> -> memref<10240xi32, #tpu.memory_space<hbm>>
      %dma_wait3A_23 = arith.constant 0 : i32
      %dma_wait3A_24 = tpu.memref_slice %arg5[%add3A, %dma_wait3A_23] : memref<32x10240xi32, #tpu.memory_space<hbm>> -> memref<1x10240xi32, #tpu.memory_space<hbm>>
      %dma_wait3A_25 = tpu.memref_squeeze %dma_wait3A_24 : memref<1x10240xi32, #tpu.memory_space<hbm>> -> memref<10240xi32, #tpu.memory_space<hbm>>
      tpu.wait_dma2 semaphore(%run_scoped3A : memref<!tpu.dma_semaphore, #tpu.memory_space<semaphore_mem>>) src(%dma_wait3A_25 : memref<10240xi32, #tpu.memory_space<hbm>>) dst(%arg9 : memref<10240xi32, #tpu.memory_space<vmem>>)
      tpu.yield
    }) : () -> ()
    %barrier3A = arith.constant 0 : index
    tpu.barrier barrier_id(%barrier3A)
    %scan3A = arith.constant 0 : i32
    %scan3A_10 = arith.constant 0 : i32
    %scan3A_11 = arith.constant 5 : i32
    %scan3A_12 = arith.addi %scan3A_10, %scan3A_11 : i32
    %scan3A_13 = arith.constant 1 : i32
    scf.for %scan3A_16 = %scan3A_10 to %scan3A_12 step %scan3A_13  : i32 {
      %mul3A_17 = arith.constant 2048 : i32
      %mul3A_18 = arith.muli %scan3A_16, %mul3A_17 : i32
      %dma_start3A = tpu.memref_slice %arg8[%mul3A_18] : memref<10240xi32, #tpu.memory_space<vmem>> -> memref<2048xi32, #tpu.memory_space<vmem>>
      %dma_start3A_19 = arith.constant 0 : i32
      %dma_start3A_20 = arith.constant 0 : i32
      %dma_start3A_21 = tpu.memref_slice %arg2[%dma_start3A_19, %dma_start3A_20] : memref<10240x16xf32, #tpu.memory_space<hbm>> -> memref<10240x16xf32, #tpu.memory_space<hbm>>
      tpu.enqueue_indirect_dma source(%dma_start3A_21 : memref<10240x16xf32, #tpu.memory_space<hbm>>) target(%arg10 : memref<2048x16xf32, #tpu.memory_space<vmem>>) offsets(%dma_start3A : memref<2048xi32, #tpu.memory_space<vmem>>) semaphore(%arg11 : memref<!tpu.dma_semaphore, #tpu.memory_space<semaphore_mem>>)
      %dma_wait3A = tpu.memref_slice %arg8[%mul3A_18] : memref<10240xi32, #tpu.memory_space<vmem>> -> memref<2048xi32, #tpu.memory_space<vmem>>
      %dma_wait3A_22 = arith.constant 0 : i32
      %dma_wait3A_23 = arith.constant 0 : i32
      %dma_wait3A_24 = tpu.memref_slice %arg2[%dma_wait3A_22, %dma_wait3A_23] : memref<10240x16xf32, #tpu.memory_space<hbm>> -> memref<10240x16xf32, #tpu.memory_space<hbm>>
      tpu.wait_indirect_dma semaphore(%arg11 : memref<!tpu.dma_semaphore, #tpu.memory_space<semaphore_mem>>) src(%dma_wait3A_24 : memref<10240x16xf32, #tpu.memory_space<hbm>>) dst(%arg10 : memref<2048x16xf32, #tpu.memory_space<vmem>>)
      "tpu.region"() ({
        %run_scoped3A = tpu.sem_alloc : memref<!tpu.dma_semaphore, #tpu.memory_space<semaphore_mem>>
        %dma_start3A_25 = tpu.memref_slice %arg9[%mul3A_18] : memref<10240xi32, #tpu.memory_space<vmem>> -> memref<2048xi32, #tpu.memory_space<vmem>>
        %dma_start3A_26 = arith.constant 0 : i32
        %dma_start3A_27 = arith.constant 0 : i32
        %dma_start3A_28 = tpu.memref_slice %arg7[%dma_start3A_26, %dma_start3A_27] : memref<10256x16xf32, #tpu.memory_space<vmem_shared>> -> memref<10256x16xf32, #tpu.memory_space<vmem_shared>>
        tpu.enqueue_indirect_dma source(%arg10 : memref<2048x16xf32, #tpu.memory_space<vmem>>) target(%dma_start3A_28 : memref<10256x16xf32, #tpu.memory_space<vmem_shared>>) offsets(%dma_start3A_25 : memref<2048xi32, #tpu.memory_space<vmem>>) semaphore(%run_scoped3A : memref<!tpu.dma_semaphore, #tpu.memory_space<semaphore_mem>>) {add = true}
        %dma_wait3A_29 = tpu.memref_slice %arg9[%mul3A_18] : memref<10240xi32, #tpu.memory_space<vmem>> -> memref<2048xi32, #tpu.memory_space<vmem>>
        %dma_wait3A_30 = arith.constant 0 : i32
        %dma_wait3A_31 = arith.constant 0 : i32
        %dma_wait3A_32 = tpu.memref_slice %arg7[%dma_wait3A_30, %dma_wait3A_31] : memref<10256x16xf32, #tpu.memory_space<vmem_shared>> -> memref<10256x16xf32, #tpu.memory_space<vmem_shared>>
        tpu.wait_indirect_dma semaphore(%run_scoped3A : memref<!tpu.dma_semaphore, #tpu.memory_space<semaphore_mem>>) src(%arg10 : memref<2048x16xf32, #tpu.memory_space<vmem>>) dst(%dma_wait3A_32 : memref<10256x16xf32, #tpu.memory_space<vmem_shared>>)
        tpu.yield
      }) : () -> ()
    }
    %scan3A_14 = arith.constant 5 : i32
    %barrier3A_15 = arith.constant 0 : index
    tpu.barrier barrier_id(%barrier3A_15)
    "tpu.region"() ({
      %run_scoped3A = tpu.sem_alloc : memref<!tpu.dma_semaphore, #tpu.memory_space<semaphore_mem>>
      %dma_start3A = arith.constant 0 : i32
      %dma_start3A_16 = tpu.memref_slice %arg6[%arg0, %mul3A_2, %dma_start3A] : memref<2x10240x16xf32, #tpu.memory_space<hbm>> -> memref<1x640x16xf32, #tpu.memory_space<hbm>>
      %dma_start3A_17 = tpu.memref_squeeze %dma_start3A_16 : memref<1x640x16xf32, #tpu.memory_space<hbm>> -> memref<640x16xf32, #tpu.memory_space<hbm>>
      %dma_start3A_18 = arith.constant 0 : i32
      %dma_start3A_19 = tpu.memref_slice %arg7[%mul3A_2, %dma_start3A_18] : memref<10256x16xf32, #tpu.memory_space<vmem_shared>> -> memref<640x16xf32, #tpu.memory_space<vmem_shared>>
      tpu.enqueue_dma source(%dma_start3A_19 : memref<640x16xf32, #tpu.memory_space<vmem_shared>>) target(%dma_start3A_17 : memref<640x16xf32, #tpu.memory_space<hbm>>) target_semaphore(%run_scoped3A : memref<!tpu.dma_semaphore, #tpu.memory_space<semaphore_mem>>)
      %dma_wait3A = arith.constant 0 : i32
      %dma_wait3A_20 = tpu.memref_slice %arg6[%arg0, %mul3A_2, %dma_wait3A] : memref<2x10240x16xf32, #tpu.memory_space<hbm>> -> memref<1x640x16xf32, #tpu.memory_space<hbm>>
      %dma_wait3A_21 = tpu.memref_squeeze %dma_wait3A_20 : memref<1x640x16xf32, #tpu.memory_space<hbm>> -> memref<640x16xf32, #tpu.memory_space<hbm>>
      %dma_wait3A_22 = arith.constant 0 : i32
      %dma_wait3A_23 = tpu.memref_slice %arg7[%mul3A_2, %dma_wait3A_22] : memref<10256x16xf32, #tpu.memory_space<vmem_shared>> -> memref<640x16xf32, #tpu.memory_space<vmem_shared>>
      tpu.wait_dma2 semaphore(%run_scoped3A : memref<!tpu.dma_semaphore, #tpu.memory_space<semaphore_mem>>) src(%dma_wait3A_23 : memref<640x16xf32, #tpu.memory_space<vmem_shared>>) dst(%dma_wait3A_21 : memref<640x16xf32, #tpu.memory_space<hbm>>)
      tpu.yield
    }) : () -> ()
    return
  }
}

module attributes {stable_mosaic.version = 14 : i64} {
  func.func @_prep_body(%arg0: memref<10240x128xf32, #tpu.memory_space<vmem>>, %arg1: memref<16x128xf32, #tpu.memory_space<vmem>>, %arg2: memref<2500x128xi32, #tpu.memory_space<vmem>>, %arg3: memref<2500x128xi32, #tpu.memory_space<vmem>>, %arg4: memref<10240x16xf32, #tpu.memory_space<vmem>>, %arg5: memref<2500x128xi32, #tpu.memory_space<vmem>>) attributes {dimension_semantics = [], scalar_prefetch = 0 : i64, scratch_operands = 0 : i64, tpu.core_type = #tpu.core_type<tc>} {
    %get3A = arith.constant 0 : index
    %get3A_0 = arith.constant 0 : index
    %get3A_1 = vector.load %arg0[%get3A, %get3A_0] : memref<10240x128xf32, #tpu.memory_space<vmem>>, vector<10240x128xf32>
    %get3A_2 = arith.constant 0 : index
    %get3A_3 = arith.constant 0 : index
    %get3A_4 = vector.load %arg1[%get3A_2, %get3A_3] : memref<16x128xf32, #tpu.memory_space<vmem>>, vector<16x128xf32>
    %dot_general3A = arith.constant dense<0.000000e+00> : vector<10240x16xf32>
    %dot_general3A_5 = tpu.matmul %get3A_1, %get3A_4, %dot_general3A {dimension_numbers = #tpu.dot_dimension_numbers<[1], [1], [0], [0], [0, 0, 1, 0], [], []>, precision = #tpu.contract_precision<fp32>, transpose_lhs_hint = false} : vector<10240x128xf32>, vector<16x128xf32>, vector<10240x16xf32> -> vector<10240x16xf32>
    %swap3A = arith.constant 0 : index
    %swap3A_6 = arith.constant 0 : index
    %swap3A_7 = vector.load %arg4[%swap3A, %swap3A_6] : memref<10240x16xf32, #tpu.memory_space<vmem>>, vector<10240x16xf32>
    tpu.vector_store %arg4[%swap3A, %swap3A_6], %dot_general3A_5 {strides = array<i32>} : memref<10240x16xf32, #tpu.memory_space<vmem>>, vector<10240x16xf32>,
    %get3A_8 = arith.constant 0 : index
    %get3A_9 = arith.constant 0 : index
    %get3A_10 = vector.load %arg2[%get3A_8, %get3A_9] : memref<2500x128xi32, #tpu.memory_space<vmem>>, vector<2500x128xi32>
    %get3A_11 = arith.constant 0 : index
    %get3A_12 = arith.constant 0 : index
    %get3A_13 = vector.load %arg3[%get3A_11, %get3A_12] : memref<2500x128xi32, #tpu.memory_space<vmem>>, vector<2500x128xi32>
    %eq3A = arith.cmpi eq, %get3A_10, %get3A_13 : vector<2500x128xi32>
    %jit3A = arith.constant 10000 : i32
    %broadcast_in_dim3A = vector.broadcast %jit3A : i32 to vector<2500x128xi32>
    %select_n3A = arith.select %eq3A, %broadcast_in_dim3A, %get3A_10 : vector<2500x128xi1>, vector<2500x128xi32>
    %swap3A_14 = arith.constant 0 : index
    %swap3A_15 = arith.constant 0 : index
    %swap3A_16 = vector.load %arg5[%swap3A_14, %swap3A_15] : memref<2500x128xi32, #tpu.memory_space<vmem>>, vector<2500x128xi32>
    tpu.vector_store %arg5[%swap3A_14, %swap3A_15], %select_n3A {strides = array<i32>} : memref<2500x128xi32, #tpu.memory_space<vmem>>, vector<2500x128xi32>,
    return
  }
}

module attributes {stable_mosaic.version = 14 : i64} {
  func.func @_add_body(%arg0: memref<2x10240x16xf32, #tpu.memory_space<vmem>>, %arg1: memref<10240x16xf32, #tpu.memory_space<vmem>>) attributes {dimension_semantics = [], scalar_prefetch = 0 : i64, scratch_operands = 0 : i64, tpu.core_type = #tpu.core_type<tc>} {
    %get3A = arith.constant 0 : index
    %get3A_0 = arith.constant 0 : index
    %get3A_1 = arith.constant 0 : index
    %get3A_2 = vector.load %arg0[%get3A, %get3A_0, %get3A_1] : memref<2x10240x16xf32, #tpu.memory_space<vmem>>, vector<1x10240x16xf32>
    %get3A_3 = vector.shape_cast %get3A_2 : vector<1x10240x16xf32> to vector<10240x16xf32>
    %get3A_4 = arith.constant 1 : index
    %get3A_5 = arith.constant 0 : index
    %get3A_6 = arith.constant 0 : index
    %get3A_7 = vector.load %arg0[%get3A_4, %get3A_5, %get3A_6] : memref<2x10240x16xf32, #tpu.memory_space<vmem>>, vector<1x10240x16xf32>
    %get3A_8 = vector.shape_cast %get3A_7 : vector<1x10240x16xf32> to vector<10240x16xf32>
    %add3A = arith.addf %get3A_3, %get3A_8 : vector<10240x16xf32>
    %swap3A = arith.constant 0 : index
    %swap3A_9 = arith.constant 0 : index
    %swap3A_10 = vector.load %arg1[%swap3A, %swap3A_9] : memref<10240x16xf32, #tpu.memory_space<vmem>>, vector<10240x16xf32>
    tpu.vector_store %arg1[%swap3A, %swap3A_9], %add3A {strides = array<i32>} : memref<10240x16xf32, #tpu.memory_space<vmem>>, vector<10240x16xf32>,
    return
  }
}

module attributes {stable_mosaic.version = 14 : i64} {
  func.func @_bn_body(%arg0: memref<2x10240x16xf32, #tpu.memory_space<vmem>>, %arg1: memref<1x16xf32, #tpu.memory_space<vmem>>, %arg2: memref<1x16xf32, #tpu.memory_space<vmem>>, %arg3: memref<1x16xf32, #tpu.memory_space<vmem>>, %arg4: memref<10240x16xf32, #tpu.memory_space<vmem>>) attributes {dimension_semantics = [], scalar_prefetch = 0 : i64, scratch_operands = 0 : i64, tpu.core_type = #tpu.core_type<tc>} {
    %get3A = arith.constant 0 : index
    %get3A_0 = arith.constant 0 : index
    %get3A_1 = arith.constant 0 : index
    %get3A_2 = vector.load %arg0[%get3A, %get3A_0, %get3A_1] : memref<2x10240x16xf32, #tpu.memory_space<vmem>>, vector<1x10240x16xf32>
    %get3A_3 = vector.shape_cast %get3A_2 : vector<1x10240x16xf32> to vector<10240x16xf32>
    %get3A_4 = arith.constant 1 : index
    %get3A_5 = arith.constant 0 : index
    %get3A_6 = arith.constant 0 : index
    %get3A_7 = vector.load %arg0[%get3A_4, %get3A_5, %get3A_6] : memref<2x10240x16xf32, #tpu.memory_space<vmem>>, vector<1x10240x16xf32>
    %get3A_8 = vector.shape_cast %get3A_7 : vector<1x10240x16xf32> to vector<10240x16xf32>
    %add3A = arith.addf %get3A_3, %get3A_8 : vector<10240x16xf32>
    %iota3A = tpu.iota {dimensions = array<i32: 0>} : vector<10240x1xi32>
    %lt3A = arith.constant 10000 : i32
    %lt3A_9 = vector.broadcast %lt3A : i32 to vector<10240x1xi32>
    %lt3A_10 = arith.cmpi slt, %iota3A, %lt3A_9 : vector<10240x1xi32>
    %convert_element_type3A = arith.extui %lt3A_10 : vector<10240x1xi1> to vector<10240x1xi32>
    %convert_element_type3A_11 = arith.sitofp %convert_element_type3A : vector<10240x1xi32> to vector<10240x1xf32>
    %get3A_12 = arith.constant 0 : index
    %get3A_13 = arith.constant 0 : index
    %get3A_14 = vector.load %arg1[%get3A_12, %get3A_13] : memref<1x16xf32, #tpu.memory_space<vmem>>, vector<1x16xf32>
    %add3A_15 = vector.broadcast %get3A_14 : vector<1x16xf32> to vector<10240x16xf32>
    %add3A_16 = arith.addf %add3A, %add3A_15 : vector<10240x16xf32>
    %mul3A = vector.broadcast %convert_element_type3A_11 : vector<10240x1xf32> to vector<10240x16xf32>
    %mul3A_17 = arith.mulf %add3A_16, %mul3A : vector<10240x16xf32>
    %reduce_sum3A = arith.constant dense<0.000000e+00> : vector<16xf32>
    %reduce_sum3A_18 = vector.multi_reduction <add>, %mul3A_17, %reduce_sum3A [0] : vector<10240x16xf32> to vector<16xf32>
    %broadcast_in_dim3A = vector.shape_cast %reduce_sum3A_18 : vector<16xf32> to vector<1x16xf32>
    %div3A = arith.constant 1.000000e+04 : f32
    %div3A_19 = vector.broadcast %div3A : f32 to vector<1x16xf32>
    %div3A_20 = arith.divf %broadcast_in_dim3A, %div3A_19 : vector<1x16xf32>
    %sub3A = vector.broadcast %div3A_20 : vector<1x16xf32> to vector<10240x16xf32>
    %sub3A_21 = arith.subf %mul3A_17, %sub3A : vector<10240x16xf32>
    %mul3A_22 = vector.broadcast %convert_element_type3A_11 : vector<10240x1xf32> to vector<10240x16xf32>
    %mul3A_23 = arith.mulf %sub3A_21, %mul3A_22 : vector<10240x16xf32>
    %mul3A_24 = arith.mulf %mul3A_23, %mul3A_23 : vector<10240x16xf32>
    %reduce_sum3A_25 = arith.constant dense<0.000000e+00> : vector<16xf32>
    %reduce_sum3A_26 = vector.multi_reduction <add>, %mul3A_24, %reduce_sum3A_25 [0] : vector<10240x16xf32> to vector<16xf32>
    %broadcast_in_dim3A_27 = vector.shape_cast %reduce_sum3A_26 : vector<16xf32> to vector<1x16xf32>
    %div3A_28 = arith.constant 1.000000e+04 : f32
    %div3A_29 = vector.broadcast %div3A_28 : f32 to vector<1x16xf32>
    %div3A_30 = arith.divf %broadcast_in_dim3A_27, %div3A_29 : vector<1x16xf32>
    %sub3A_31 = vector.broadcast %div3A_20 : vector<1x16xf32> to vector<10240x16xf32>
    %sub3A_32 = arith.subf %mul3A_17, %sub3A_31 : vector<10240x16xf32>
    %add3A_33 = arith.constant 9.99999974E-6 : f32
    %add3A_34 = vector.broadcast %add3A_33 : f32 to vector<1x16xf32>
    %add3A_35 = arith.addf %div3A_30, %add3A_34 : vector<1x16xf32>
    %rsqrt3A = math.rsqrt %add3A_35 : vector<1x16xf32>
    %mul3A_36 = vector.broadcast %rsqrt3A : vector<1x16xf32> to vector<10240x16xf32>
    %mul3A_37 = arith.mulf %sub3A_32, %mul3A_36 : vector<10240x16xf32>
    %get3A_38 = arith.constant 0 : index
    %get3A_39 = arith.constant 0 : index
    %get3A_40 = vector.load %arg2[%get3A_38, %get3A_39] : memref<1x16xf32, #tpu.memory_space<vmem>>, vector<1x16xf32>
    %mul3A_41 = vector.broadcast %get3A_40 : vector<1x16xf32> to vector<10240x16xf32>
    %mul3A_42 = arith.mulf %mul3A_37, %mul3A_41 : vector<10240x16xf32>
    %get3A_43 = arith.constant 0 : index
    %get3A_44 = arith.constant 0 : index
    %get3A_45 = vector.load %arg3[%get3A_43, %get3A_44] : memref<1x16xf32, #tpu.memory_space<vmem>>, vector<1x16xf32>
    %add3A_46 = vector.broadcast %get3A_45 : vector<1x16xf32> to vector<10240x16xf32>
    %add3A_47 = arith.addf %mul3A_42, %add3A_46 : vector<10240x16xf32>
    %gt3A = arith.constant 0.000000e+00 : f32
    %gt3A_48 = vector.broadcast %gt3A : f32 to vector<10240x16xf32>
    %gt3A_49 = arith.cmpf ogt, %add3A_47, %gt3A_48 : vector<10240x16xf32>
    %exp3A = math.exp %add3A_47 : vector<10240x16xf32>
    %sub3A_50 = arith.constant 1.000000e+00 : f32
    %sub3A_51 = vector.broadcast %sub3A_50 : f32 to vector<10240x16xf32>
    %sub3A_52 = arith.subf %exp3A, %sub3A_51 : vector<10240x16xf32>
    %mul3A_53 = arith.constant 1.67326319 : f32
    %mul3A_54 = vector.broadcast %mul3A_53 : f32 to vector<10240x16xf32>
    %mul3A_55 = arith.mulf %mul3A_54, %sub3A_52 : vector<10240x16xf32>
    %select_n3A = arith.select %gt3A_49, %add3A_47, %mul3A_55 : vector<10240x16xi1>, vector<10240x16xf32>
    %mul3A_56 = arith.constant 1.05070102 : f32
    %mul3A_57 = vector.broadcast %mul3A_56 : f32 to vector<10240x16xf32>
    %mul3A_58 = arith.mulf %mul3A_57, %select_n3A : vector<10240x16xf32>
    %mul3A_59 = vector.broadcast %convert_element_type3A_11 : vector<10240x1xf32> to vector<10240x16xf32>
    %mul3A_60 = arith.mulf %mul3A_58, %mul3A_59 : vector<10240x16xf32>
    %swap3A = arith.constant 0 : index
    %swap3A_61 = arith.constant 0 : index
    %swap3A_62 = vector.load %arg4[%swap3A, %swap3A_61] : memref<10240x16xf32, #tpu.memory_space<vmem>>, vector<10240x16xf32>
    tpu.vector_store %arg4[%swap3A, %swap3A_61], %mul3A_60 {strides = array<i32>} : memref<10240x16xf32, #tpu.memory_space<vmem>>, vector<10240x16xf32>,
    return
  }
}

module attributes {stable_mosaic.version = 14 : i64} {
  func.func @_out_body(%arg0: memref<2x10240x16xf32, #tpu.memory_space<vmem>>, %arg1: memref<64x16xf32, #tpu.memory_space<vmem>>, %arg2: memref<1x64xf32, #tpu.memory_space<vmem>>, %arg3: memref<10000x64xf32, #tpu.memory_space<vmem>>) attributes {dimension_semantics = [], scalar_prefetch = 0 : i64, scratch_operands = 0 : i64, tpu.core_type = #tpu.core_type<tc>} {
    %get3A = arith.constant 0 : index
    %get3A_0 = arith.constant 0 : index
    %get3A_1 = arith.constant 0 : index
    %get3A_2 = vector.load %arg0[%get3A, %get3A_0, %get3A_1] : memref<2x10240x16xf32, #tpu.memory_space<vmem>>, vector<1x10240x16xf32>
    %get3A_3 = vector.shape_cast %get3A_2 : vector<1x10240x16xf32> to vector<10240x16xf32>
    %get3A_4 = arith.constant 1 : index
    %get3A_5 = arith.constant 0 : index
    %get3A_6 = arith.constant 0 : index
    %get3A_7 = vector.load %arg0[%get3A_4, %get3A_5, %get3A_6] : memref<2x10240x16xf32, #tpu.memory_space<vmem>>, vector<1x10240x16xf32>
    %get3A_8 = vector.shape_cast %get3A_7 : vector<1x10240x16xf32> to vector<10240x16xf32>
    %add3A = arith.addf %get3A_3, %get3A_8 : vector<10240x16xf32>
    %get3A_9 = arith.constant 0 : index
    %get3A_10 = arith.constant 0 : index
    %get3A_11 = vector.load %arg1[%get3A_9, %get3A_10] : memref<64x16xf32, #tpu.memory_space<vmem>>, vector<64x16xf32>
    %dot_general3A = arith.constant dense<0.000000e+00> : vector<10240x64xf32>
    %dot_general3A_12 = tpu.matmul %add3A, %get3A_11, %dot_general3A {dimension_numbers = #tpu.dot_dimension_numbers<[1], [1], [0], [0], [0, 0, 1, 0], [], []>, transpose_lhs_hint = false} : vector<10240x16xf32>, vector<64x16xf32>, vector<10240x64xf32> -> vector<10240x64xf32>
    %get3A_13 = arith.constant 0 : index
    %get3A_14 = arith.constant 0 : index
    %get3A_15 = vector.load %arg2[%get3A_13, %get3A_14] : memref<1x64xf32, #tpu.memory_space<vmem>>, vector<1x64xf32>
    %add3A_16 = vector.broadcast %get3A_15 : vector<1x64xf32> to vector<10240x64xf32>
    %add3A_17 = arith.addf %dot_general3A_12, %add3A_16 : vector<10240x64xf32>
    %reduce_max3A = arith.constant dense<0xFF800000> : vector<10240xf32>
    %reduce_max3A_18 = vector.multi_reduction <maximumf>, %add3A_17, %reduce_max3A [1] : vector<10240x64xf32> to vector<10240xf32>
    %broadcast_in_dim3A = vector.shape_cast %reduce_max3A_18 : vector<10240xf32> to vector<10240x1xf32>
    %sub3A = vector.broadcast %broadcast_in_dim3A : vector<10240x1xf32> to vector<10240x64xf32>
    %sub3A_19 = arith.subf %add3A_17, %sub3A : vector<10240x64xf32>
    %exp3A = math.exp %sub3A_19 : vector<10240x64xf32>
    %reduce_sum3A = arith.constant dense<0.000000e+00> : vector<10240xf32>
    %reduce_sum3A_20 = vector.multi_reduction <add>, %exp3A, %reduce_sum3A [1] : vector<10240x64xf32> to vector<10240xf32>
    %broadcast_in_dim3A_21 = vector.shape_cast %reduce_sum3A_20 : vector<10240xf32> to vector<10240x1xf32>
    %div3A = vector.broadcast %broadcast_in_dim3A_21 : vector<10240x1xf32> to vector<10240x64xf32>
    %div3A_22 = arith.divf %exp3A, %div3A : vector<10240x64xf32>
    %slice3A = vector.extract_strided_slice %div3A_22 {offsets = [0, 0], sizes = [10000, 64], strides = [1, 1]} : vector<10240x64xf32> to vector<10000x64xf32>
    %swap3A = arith.constant 0 : index
    %swap3A_23 = arith.constant 0 : index
    %swap3A_24 = vector.load %arg3[%swap3A, %swap3A_23] : memref<10000x64xf32, #tpu.memory_space<vmem>>, vector<10000x64xf32>
    tpu.vector_store %arg3[%swap3A, %swap3A_23], %slice3A {strides = array<i32>} : memref<10000x64xf32, #tpu.memory_space<vmem>>, vector<10000x64xf32>,
    return
  }
}

</mosaic_0001>

<sc_bundles>
// kernel: kernel.12.cloned.1.call-start
scs
__scs_entry_jumppad:
0x0: {  	(pc) =	sbr.rel $0x88, $3  }
0x1: {  	(tag) =	ssettag $0x0;
	lr =	simm.s32 $0x1  }
0x2: {  	[smem:$0x3F99] =	sst lr;
	_ =	strace $0xD0000000  }
0x3: {  	_ = 	snop  }
0x4: {  	_ = 	snop  }
0x5: {  	_ = 	snop  }
0x6: {  	_ = 	snop  }
0x7: {  	_ = 	snop  }
__scs_overlays_trampoline_lowered:
0x8: {  	[smem:$0x3FA8] =	sst s0  }
0x9: {  	[smem:$0x3FA9] =	sst s1  }
0xa: {  	[smem:$0x3FAA] =	sst s2  }
0xb: {  	[smem:$0x3FAB] =	sst s3  }
0xc: {  	[smem:$0x3FAC] =	sst s4  }
0xd: {  	[smem:$0x3FAD] =	sst s5  }
0xe: {  	[smem:$0x3FAE] =	sst s6  }
0xf: {  	[smem:$0x3FAF] =	sst s7  }
0x10: {  	[smem:$0x3FB0] =	sst s8  }
0x11: {  	[smem:$0x3FB1] =	sst s9;
	s0 =	simm.s32 @!p0 $0x0  }
0x12: {  	s1 =	sld [smem:$0x3F97];
	s0 =	simm.s32 @p0 $0x1  }
0x13: {  	[smem:$0x3FB2] =	sst s0;
	s0 =	simm.s32 @!p1 $0x0  }
0x14: {  	s2 =	sld [smem:$0x3F96];
	s0 =	simm.s32 @p1 $0x1  }
0x15: {  	[smem:$0x3FB3] =	sst s0;
	s0 =	simm.s32 @!p2 $0x0  }
0x16: {  	s3 =	sld [smem:$0x3FDB];
	s0 =	simm.s32 @p2 $0x1  }
0x17: {  	s4 =	simm.s32 $0x1BF5;
	[smem:$0x3FB5] =	sst s0  }
0x18: {  	s0 =	sld [smem:$0x3F98];
	_ =	swait.ge [sflag:s4], $0x0  }
0x19: {  	s7 =	sld [smem:$0x3F99]  }
0x1a: {  	s8 =	sadd.s32 $0xFFFFE003, lr  }
0x1b: {  	s9 =	sadd.s32 $0xFFFFFEF7, lr;
	s5 =	simm.s32 $0xFFFFFFFF;
	p2 =	slt.u32 s8, $0xFFFFF086  }
0x1c: {  	p1 =	slt.u32 s9, $0xF7A;
	s5 =	simm.s32 @!p2 $0x0  }
0x1d: {  	s5 =	simm.s32 @p1 $0x1;
	p0 =	seq.s32 s7, s2  }
0x1e: {  	s7 =	smul.u32 @!p0 $0xF7A, s2;
	p2 =	seq.s32 @!p0 s5, $0x0  }
0x1f: {  	s9 =	smul.u32 $0xF7A, s1;
	s8 =	simm.s32 @!p0 $0x1BF5;
	p2 =	por !p2, p0  }
0x20: {  	[sflag:s8] =	ssyncset.s32 @!p0 $0xFFFFF086;
	s6 =	sadd.s32 @!p0 s3, s7;
	s7 =	simm.s32 @!p0 $0x108  }
0x21: {  	s3 =	sadd.s32 s3, s9;
	s6 =	sadd.s32 @!p0 $0x88, s6;
	s7 =	simm.s32 @p2 $0x1082  }
0x22: {  	[simem:s7], [sflag:s8] =	dma.local @!p0 [hbm:s6], $0xF7A  }
0x23: {  	s9 =	sor.u32 $0xD0000000, s2;
	s6 =	simm.s32 $0x108;
	_ =	swait.ge @!p0 [sflag:s8], $0x0  }
0x24: {  	s3 =	sadd.s32 $0x88, s3;
	s6 =	simm.s32 @!p1 $0x1082;
	[sflag:s4] =	ssyncset.s32 $0xFFFFF086  }
0x25: {  	[simem:s6], [sflag:s4] =	dma.local [hbm:s3], $0xF7A  }
0x26: {  	[smem:$0x3F99] =	sst s1;
	(tag) =	ssettag s2;
	_ =	strace s9  }
0x27: {  	s1 =	sld [smem:$0x3FA9]  }
0x28: {  	s2 =	sld [smem:$0x3FAA]  }
0x29: {  	s4 =	sld [smem:$0x3FAC]  }
0x2a: {  	p0 =	seq.s32 s5, $0x0;
	s5 =	sld [smem:$0x3FAD]  }
0x2b: {  	s6 =	sld [smem:$0x3FAE]  }
0x2c: {  	s7 =	sld [smem:$0x3FAF]  }
0x2d: {  	s3 =	simm.s32 $0x108;
	s8 =	sld [smem:$0x3FB0]  }
0x2e: {  	s3 =	simm.s32 @!p0 $0x1082;
	s9 =	sld [smem:$0x3FB1]  }
0x2f: {  	lr =	sadd.s32 s0, s3;
	s0 =	sld [smem:$0x3FA8]  }
0x30: {  	s3 =	sld [smem:$0x3FAB]  }
0x31: {  	[smem:$0x3FB4] =	sst s10  }
0x32: {  	s10 =	sld [smem:$0x3FB2];
	_ =	sdelay $0x3  }
0x33: {  	p0 =	seq.s32 s10, $0x1;
	s10 =	sld [smem:$0x3FB4];
	_ =	sdelay $0x3  }
0x34: {  	[smem:$0x3FB4] =	sst s10  }
0x35: {  	s10 =	sld [smem:$0x3FB3];
	_ =	sdelay $0x3  }
0x36: {  	p1 =	seq.s32 s10, $0x1;
	s10 =	sld [smem:$0x3FB4];
	_ =	sdelay $0x3  }
0x37: {  	[smem:$0x3FB4] =	sst s10  }
0x38: {  	s10 =	sld [smem:$0x3FB5]  }
0x39: {  	_ = 	snop;
	(pc) =	sbr.ind lr, $3  }
0x3a: {  	_ = 	snop  }
0x3b: {  	_ = 	snop  }
0x3c: {  	p2 =	seq.s32 s10, $0x1;
	s10 =	sld [smem:$0x3FB4]  }
0x3d: {  	_ =	shalt  }
0x3e: {  	_ =	shalt  }
0x3f: {  	_ =	shalt  }
0x40: {  	_ =	shalt  }
0x41: {  	_ =	shalt  }
0x42: {  	_ =	shalt  }
0x43: {  	_ =	shalt  }
0x44: {  	_ =	shalt  }
0x45: {  	_ =	shalt  }
0x46: {  	_ =	shalt  }
0x47: {  	_ =	shalt  }
0x48: {  	_ =	shalt  }
0x49: {  	_ =	shalt  }
0x4a: {  	_ =	shalt  }
0x4b: {  	_ =	shalt  }
0x4c: {  	_ =	shalt  }
0x4d: {  	_ =	shalt  }
0x4e: {  	_ =	shalt  }
0x4f: {  	_ =	shalt  }
0x50: {  	_ =	shalt  }
0x51: {  	_ =	shalt  }
0x52: {  	_ =	shalt  }
0x53: {  	_ =	shalt  }
0x54: {  	_ =	shalt  }
0x55: {  	_ =	shalt  }
0x56: {  	_ =	shalt  }
0x57: {  	_ =	shalt  }
0x58: {  	_ =	shalt  }
0x59: {  	_ =	shalt  }
0x5a: {  	_ =	shalt  }
0x5b: {  	_ =	shalt  }
0x5c: {  	_ =	shalt  }
0x5d: {  	_ =	shalt  }
0x5e: {  	_ =	shalt  }
0x5f: {  	_ =	shalt  }
0x60: {  	_ =	shalt  }
0x61: {  	_ =	shalt  }
0x62: {  	_ =	shalt  }
0x63: {  	_ =	shalt  }
0x64: {  	_ =	shalt  }
0x65: {  	_ =	shalt  }
0x66: {  	_ =	shalt  }
0x67: {  	_ =	shalt  }
0x68: {  	_ =	shalt  }
0x69: {  	_ =	shalt  }
0x6a: {  	_ =	shalt  }
0x6b: {  	_ =	shalt  }
0x6c: {  	_ =	shalt  }
0x6d: {  	_ =	shalt  }
0x6e: {  	_ =	shalt  }
0x6f: {  	_ =	shalt  }
0x70: {  	_ =	shalt  }
0x71: {  	_ =	shalt  }
0x72: {  	_ =	shalt  }
0x73: {  	_ =	shalt  }
0x74: {  	_ =	shalt  }
0x75: {  	_ =	shalt  }
0x76: {  	_ =	shalt  }
0x77: {  	_ =	shalt  }
0x78: {  	_ =	shalt  }
0x79: {  	_ =	shalt  }
0x7a: {  	_ =	shalt  }
0x7b: {  	_ =	shalt  }
0x7c: {  	_ =	shalt  }
0x7d: {  	_ =	shalt  }
0x7e: {  	_ =	shalt  }
0x7f: {  	_ =	shalt  }
0x80: {  	_ =	shalt  }
0x81: {  	_ =	shalt  }
0x82: {  	_ =	shalt  }
0x83: {  	_ =	shalt  }
0x84: {  	_ =	shalt  }
0x85: {  	_ =	shalt  }
0x86: {  	_ =	shalt  }
0x87: {  	_ =	shalt  }
.Lfunc_end0:
.L_simem_size_0:
called_computation.1_lowered:
.L_overlay_start_0:
0x88: {  	s2 =	sld [smem:$0x3FD9]  }
0x89: {  	s3 =	sld [smem:$0x3FFE];
	_ =	sdelay $0x1  }
0x8a: {  	s1 =	srdreg.scid  }
0x8b: {  	s0 =	sand.u32 $0x1, s1  }
0x8c: {  	s17 =	sshll.u32 s0, $0xA;
	s2 =	sadd.s32 s3, s2  }
0x8d: {  	s2 =	sadd.s32 s2, s17  }
0x8e: {  	[smem:$0x3FC0] =	sst s2  }
0x8f: {  	_ = 	snop  }
0x90: {  	s2 =	sld [smem:$0x3FD0];
	(tm) =	ssettm $0x1  }
0x91: {  	s18 =	sld [smem:$0x3FFB];
	_ =	sdelay $0x3  }
0x92: {  	_ =	strace s18  }
0x93: {  	s3 =	sld [smem:$0x3FFC];
	_ =	sdelay $0x3  }
0x94: {  	_ =	strace s3  }
0x95: {  	s3 =	sld [smem:$0x3FFD];
	_ =	sdelay $0x3  }
0x96: {  	_ =	strace s3  }
0x97: {  	_ =	strace $0x8FFFFFFF  }
0x98: {  	s19 =	sld [smem:$0x3FDB];
	_ =	sdelay $0x1  }
0x99: {  	s4 =	simm.s32 $_scs_section_size  }
0x9a: {  	s5 =	simm.s32 $_size__tile_overlayer_lowered;
	s6 =	simm.s32 $_tile_overlayer_lowered  }
0x9b: {  	s22 =	simm.s32 $0x1BFF;
	s21 =	sshll.u32 s6, $0x1;
	s3 =	sadd.s32 s4, s19  }
0x9c: {  	s7 =	simm.s32 $0x0;
	s20 =	sshll.u32 s5, $0x1;
	s5 =	sadd.s32 s21, s3  }
0x9d: {  	[timem:s7], [sflag:s22] =	dma.local [hbm:s5], s20  }
0x9e: {  	_ =	swait.ge [sflag:s22], s20  }
0x9f: {  	s4 =	ssub.s32 $0x0, s20;
	[sflag:s22] =	ssyncset.done $0x0  }
0xa0: {  	[sflag:s22] =	ssyncadd.s32 s4;
	_ =	sdelay $0x1  }
0xa1: {  	s23 =	simm.s32 $0x1B8B  }
0xa2: {  	_ =	swait.ge [sflag:s23], $0x1  }
0xa3: {  	[sflag:s23] =	ssyncset.done $0x0  }
0xa4: {  	s25 =	simm.s32 $0x1B8E;
	s24 =	sld [smem:$0x3FFE];
	[sflag:s23] =	ssyncadd.s32 $0xFFFFFFFF  }
0xa5: {  	s26 =	simm.s32 $execute0_lowered;
	[smem:$0x3FD2] =	sst s25  }
0xa6: {  	s5 =	sshll.u32 s26, $0x1;
	_ =	strace $0x80000049;
	[dreg:$0x1] =	wrdreg $0xFFFFFFFF  }
0xa7: {  	s28 =	simm.s32 $_size_execute0_lowered;
	s3 =	sadd.s32 s3, s5;
	[dreg:$0x0] =	wrdreg $0x0  }
0xa8: {  	s5 =	sshll.u32 s28, $0x1;
	[dreg:$0x2] =	wrdreg s3  }
0xa9: {  	[dreg:$0x3] =	wrdreg s5  }
0xaa: {  	[dreg:$0x4] =	wrdreg $0xC0  }
0xab: {  	_ =	task [dreg:s7], $0x5FFFF  }
0xac: {  	[dreg:$0x1] =	wrdreg $0xFFFFFFFF  }
0xad: {  	[dreg:$0x0] =	wrdreg $0x60  }
0xae: {  	[dreg:$0x2] =	wrdreg s24  }
0xaf: {  	[dreg:$0x3] =	wrdreg s2  }
0xb0: {  	[dreg:$0x4] =	wrdreg $0x0  }
0xb1: {  	[dreg:$0x5] =	wrdreg $0x9  }
0xb2: {  	_ =	task.clear_ibuf [dreg:s7], $0x6FFFF;
	_ =	strace $0x90000049  }
0xb3: {  	s29 =	simm.s32 $0x9;
	_ =	strace $0x8000004B  }
0xb4: {  	_ =	swait.ge [sflag:s29], $0x1  }
0xb5: {  	[sflag:s29] =	ssyncadd.s32 $0xFFFFFFFF  }
0xb6: {  	_ =	strace $0x9000004B  }
0xb7: {  	_ =	sfence  }
0xb8: {  	s30 =	sld [smem:$0x0];
	_ =	sdelay $0x2  }
0xb9: {  	s31 =	sshll.u32 s1, $0xD;
	s1 =	sshrl.u32 s1, $0x2  }
0xba: {  	s3 =	sand.u32 $0x4000, s31;
	s1 =	sadd.s32 s1, s30  }
0xbb: {  	s0 =	sor.u32 s3, s0;
	s1 =	sshll.u32 s1, $0x11  }
0xbc: {  	s0 =	sor.u32 s1, s0  }
0xbd: {  	s0 =	sadd.s32 $0x8F2B, s0  }
0xbe: {  	[sflag:s0] =	ssyncadd.remote.s32 $0x1  }
0xbf: {  	_ =	sfence.sel $0xFFFF  }
0xc0: {  	[dreg:$0x0] =	wrdreg $0xFFFFFFFF;
	(pc) =	sbr.abs _section_cstart, $3  }
0xc1: {  	[dreg:$0x1] =	wrdreg $0xFFFFFFFF  }
0xc2: {  	_ =	task.clear_ibuf [dreg:s7], $0x2FFFF;
	_ =	strace $0x9FFFFFFF  }
0xc3: {  	(tm) =	ssettm $0x7FFFFFFF  }
tec
execute0_lowered:
.L_overlay_start_1:
0x0: {  	(tag) =	ssettag $0x1  }
0x1: {  	s24 =	rddreg [dreg:$0x0]  }
0x2: {  	s9 =	rddreg [dreg:$0x1]  }
0x3: {  	s1 =	rddreg [dreg:$0x2]  }
0x4: {  	s0 =	rddreg [dreg:$0x3]  }
0x5: {  	s3 =	simm.s32 $0x0;
	s5 =	srdreg.scid;
	s2 =	stileid.u32  }
0x6: {  	[smem:$0x7FF] =	sst s3;
	s4 =	sadd.s32 $0x1400, s24;
	s25 =	sand.u32 $0x1, s5  }
0x7: {  	s26 =	smul.u32 $0x2800, s2;
	s5 =	sadd.s32 $0x10400, s24;
	s30 =	sshll.u32 s2, $0x6  }
0x8: {  	_ =	strace $0x8000004A;
	s6 =	sshll.u32 s25, $0x4;
	p0 =	seq.s32 s25, $0x1  }
0x9: {  	s7 =	smov.u32 s4;
	s10 =	sor.u32 s2, s6;
	s29 =	sshrl.u32 s26, $0x3  }
0xa: {  	s7 =	smov.u32 @p0 s5;
	s8 =	sadd.s32 s26, s1;
	s6 =	sor.u32 $0x1C02, s30  }
0xb: {  	s5 =	sadd.s32 s7, s29;
	s8 =	sshrl.u32 s8, $0x3;
	s7 =	simm.s32 $0x2  }
0xc: {  	[spmem:s8], [sflag:s6] =	dma.local [hbm:s5], $0x500  }
0xd: {  	s11 =	smul.u32 $0x500, s10;
	_ =	swait.ge [sflag:s7], $0x500  }
0xe: {  	[sflag:s7] =	ssyncset.done $0x0  }
0xf: {  	s10 =	simm.s32 $0x2810;
	s9 =	sadd.s32 s9, s11;
	[sflag:s7] =	ssyncadd.s32 $0xFFFFFB00  }
0x10: {  	[tilespmem:s10], [sflag:$0x2] =	stream.linear.gather [hbm4b:s9+s3], $0x2800, $0x38;
	[tilespmem:$0xF810] =	vst v63  }
0x11: {  	_ =	swait.ge [sflag:s7], $0x2800  }
0x12: {  	s11 =	sadd.s32 s11, s24;
	[sflag:s7] =	ssyncset.done $0x0  }
0x13: {  	s12 =	simm.s32 $0x5010;
	s11 =	sadd.s32 $0x6400, s11;
	[sflag:s7] =	ssyncadd.s32 $0xFFFFD800  }
0x14: {  	[tilespmem:s12], [sflag:$0x2] =	stream.linear.gather [hbm4b:s11+s3], $0x2800, $0x38;
	[tilespmem:$0xF810] =	vst v63  }
0x15: {  	_ =	swait.ge [sflag:s7], $0x2800  }
0x16: {  	[sflag:s7] =	ssyncset.done $0x0  }
0x17: {  	s13 =	simm.s32 $0x800;
	[sflag:s7] =	ssyncadd.s32 $0xFFFFD800  }
0x18: {  	s14 =	simm.s32 $0x7810;
	s15 =	simm.s32 $0x1;
	[bflag:$0x0] =	sbarrier.arrive $0xFFFF  }
0x19: {  	[tilespmem:s14], [sflag:$0x1] =	stream.indirect.gather [hbm4b:s4+s13], $0x10, s10, s13, $0xb8;
	[tilespmem:$0xF810] =	vst v63  }
0x1a: {  	_ =	swait.ge [sflag:s15], $0x8000  }
0x1b: {  	[sflag:s15] =	ssyncset.done $0x0  }
0x1c: {  	[sflag:s15] =	ssyncadd.s32 $0xFFFF8000  }
0x1d: {  	[spmem:s1] =	stream.indirect.scatter.add.f32 [tilespmem:s14], [sflag:$0x2], $0x10, s12, s13, $0xb8;
	[tilespmem:$0xF810] =	vst v63  }
0x1e: {  	_ =	swait.ge [sflag:s7], $0x8000  }
0x1f: {  	[sflag:s7] =	ssyncset.done $0x0  }
0x20: {  	s16 =	simm.s32 $0x3010;
	[sflag:s7] =	ssyncadd.s32 $0xFFFF8000  }
0x21: {  	[tilespmem:s14], [sflag:$0x1] =	stream.indirect.gather [hbm4b:s4+s13], $0x10, s16, s13, $0xb8;
	[tilespmem:$0xF810] =	vst v63  }
0x22: {  	_ =	swait.ge [sflag:s15], $0x8000  }
0x23: {  	[sflag:s15] =	ssyncset.done $0x0  }
0x24: {  	s17 =	simm.s32 $0x5810;
	[sflag:s15] =	ssyncadd.s32 $0xFFFF8000  }
0x25: {  	[spmem:s1] =	stream.indirect.scatter.add.f32 [tilespmem:s14], [sflag:$0x2], $0x10, s17, s13, $0xb8;
	[tilespmem:$0xF810] =	vst v63  }
0x26: {  	_ =	swait.ge [sflag:s7], $0x8000  }
0x27: {  	[sflag:s7] =	ssyncset.done $0x0  }
0x28: {  	s18 =	simm.s32 $0x3810;
	[sflag:s7] =	ssyncadd.s32 $0xFFFF8000  }
0x29: {  	[tilespmem:s14], [sflag:$0x1] =	stream.indirect.gather [hbm4b:s4+s13], $0x10, s18, s13, $0xb8;
	[tilespmem:$0xF810] =	vst v63  }
0x2a: {  	_ =	swait.ge [sflag:s15], $0x8000  }
0x2b: {  	[sflag:s15] =	ssyncset.done $0x0  }
0x2c: {  	s19 =	simm.s32 $0x6010;
	[sflag:s15] =	ssyncadd.s32 $0xFFFF8000  }
0x2d: {  	[spmem:s1] =	stream.indirect.scatter.add.f32 [tilespmem:s14], [sflag:$0x2], $0x10, s19, s13, $0xb8;
	[tilespmem:$0xF810] =	vst v63  }
0x2e: {  	_ =	swait.ge [sflag:s7], $0x8000  }
0x2f: {  	[sflag:s7] =	ssyncset.done $0x0  }
0x30: {  	s20 =	simm.s32 $0x4010;
	[sflag:s7] =	ssyncadd.s32 $0xFFFF8000  }
0x31: {  	[tilespmem:s14], [sflag:$0x1] =	stream.indirect.gather [hbm4b:s4+s13], $0x10, s20, s13, $0xb8;
	[tilespmem:$0xF810] =	vst v63  }
0x32: {  	_ =	swait.ge [sflag:s15], $0x8000  }
0x33: {  	[sflag:s15] =	ssyncset.done $0x0  }
0x34: {  	s21 =	simm.s32 $0x6810;
	[sflag:s15] =	ssyncadd.s32 $0xFFFF8000  }
0x35: {  	[spmem:s1] =	stream.indirect.scatter.add.f32 [tilespmem:s14], [sflag:$0x2], $0x10, s21, s13, $0xb8;
	[tilespmem:$0xF810] =	vst v63  }
0x36: {  	_ =	swait.ge [sflag:s7], $0x8000  }
0x37: {  	[sflag:s7] =	ssyncset.done $0x0  }
0x38: {  	s22 =	simm.s32 $0x4810;
	[sflag:s7] =	ssyncadd.s32 $0xFFFF8000  }
0x39: {  	[tilespmem:s14], [sflag:$0x1] =	stream.indirect.gather [hbm4b:s4+s13], $0x10, s22, s13, $0xb8;
	[tilespmem:$0xF810] =	vst v63  }
0x3a: {  	s28 =	smul.u32 $0x28000, s25;
	s25 =	ssub.s32 $0x2, s25;
	_ =	swait.ge [sflag:s15], $0x8000  }
0x3b: {  	s31 =	sshrl.u32 s25, $0x1;
	[sflag:s15] =	ssyncset.done $0x0  }
0x3c: {  	s23 =	simm.s32 $0x7010;
	s25 =	ssub.s32 s25, s31;
	[sflag:s15] =	ssyncadd.s32 $0xFFFF8000  }
0x3d: {  	[spmem:s1] =	stream.indirect.scatter.add.f32 [tilespmem:s14], [sflag:$0x2], $0x10, s23, s13, $0xb8;
	[tilespmem:$0xF810] =	vst v63  }
0x3e: {  	s26 =	sadd.s32 s26, s28;
	s25 =	smax.u32 s25, $0x1;
	_ =	swait.ge [sflag:s7], $0x8000  }
0x3f: {  	s26 =	sshrl.u32 s26, $0x3;
	p0 =	sne.s32 s25, $0x1;
	[sflag:s7] =	ssyncset.done $0x0  }
.Ltmp0:
0x40: {  	s24 =	sadd.s32 s26, s24;
	[sflag:s7] =	ssyncadd.s32 $0xFFFF8000;
	(pc) =	sbr.rel @!p0 .LBB2_2-.Ltmp0, $4  }
0x41: {  	s24 =	sadd.s32 $0x15400, s24;
	[bflag:$0x0] =	sbarrier.arrive $0xFFFF  }
0x42: {  	[hbm:s24], [sflag:s6] =	dma.local [spmem:s8], $0x500  }
0x43: {  	_ =	swait.ge [sflag:s7], $0x500  }
0x44: {  	s25 =	sadd.s32 $0xFFFFFFFF, s25;
	[sflag:s7] =	ssyncset.done $0x0  }
.LBB2_1:
0x45: {  	p0 =	sne.s32 s25, $0x1;
	s25 =	sadd.s32 $0xFFFFFFFF, s25;
	[sflag:s7] =	ssyncadd.s32 $0xFFFFFB00  }
0x46: {  	[spmem:s8], [sflag:s6] =	dma.local [hbm:s5], $0x500  }
0x47: {  	_ =	swait.ge [sflag:s7], $0x500  }
0x48: {  	[sflag:s7] =	ssyncset.done $0x0  }
0x49: {  	[sflag:s7] =	ssyncadd.s32 $0xFFFFFB00  }
0x4a: {  	[tilespmem:s10], [sflag:$0x2] =	stream.linear.gather [hbm4b:s9+s3], $0x2800, $0x38;
	[tilespmem:$0xF810] =	vst v63  }
0x4b: {  	_ =	swait.ge [sflag:s7], $0x2800  }
0x4c: {  	[sflag:s7] =	ssyncset.done $0x0  }
0x4d: {  	[sflag:s7] =	ssyncadd.s32 $0xFFFFD800  }
0x4e: {  	[tilespmem:s12], [sflag:$0x2] =	stream.linear.gather [hbm4b:s11+s3], $0x2800, $0x38;
	[tilespmem:$0xF810] =	vst v63  }
0x4f: {  	_ =	swait.ge [sflag:s7], $0x2800  }
0x50: {  	[sflag:s7] =	ssyncset.done $0x0  }
0x51: {  	[sflag:s7] =	ssyncadd.s32 $0xFFFFD800  }
0x52: {  	[bflag:$0x0] =	sbarrier.arrive $0xFFFF  }
0x53: {  	[tilespmem:s14], [sflag:$0x1] =	stream.indirect.gather [hbm4b:s4+s13], $0x10, s10, s13, $0xb8;
	[tilespmem:$0xF810] =	vst v63  }
0x54: {  	_ =	swait.ge [sflag:s15], $0x8000  }
0x55: {  	[sflag:s15] =	ssyncset.done $0x0  }
0x56: {  	[sflag:s15] =	ssyncadd.s32 $0xFFFF8000  }
0x57: {  	[spmem:s1] =	stream.indirect.scatter.add.f32 [tilespmem:s14], [sflag:$0x2], $0x10, s12, s13, $0xb8;
	[tilespmem:$0xF810] =	vst v63  }
0x58: {  	_ =	swait.ge [sflag:s7], $0x8000  }
0x59: {  	[sflag:s7] =	ssyncset.done $0x0  }
0x5a: {  	[sflag:s7] =	ssyncadd.s32 $0xFFFF8000  }
0x5b: {  	[tilespmem:s14], [sflag:$0x1] =	stream.indirect.gather [hbm4b:s4+s13], $0x10, s16, s13, $0xb8;
	[tilespmem:$0xF810] =	vst v63  }
0x5c: {  	_ =	swait.ge [sflag:s15], $0x8000  }
0x5d: {  	[sflag:s15] =	ssyncset.done $0x0  }
0x5e: {  	[sflag:s15] =	ssyncadd.s32 $0xFFFF8000  }
0x5f: {  	[spmem:s1] =	stream.indirect.scatter.add.f32 [tilespmem:s14], [sflag:$0x2], $0x10, s17, s13, $0xb8;
	[tilespmem:$0xF810] =	vst v63  }
0x60: {  	_ =	swait.ge [sflag:s7], $0x8000  }
0x61: {  	[sflag:s7] =	ssyncset.done $0x0  }
0x62: {  	[sflag:s7] =	ssyncadd.s32 $0xFFFF8000  }
0x63: {  	[tilespmem:s14], [sflag:$0x1] =	stream.indirect.gather [hbm4b:s4+s13], $0x10, s18, s13, $0xb8;
	[tilespmem:$0xF810] =	vst v63  }
0x64: {  	_ =	swait.ge [sflag:s15], $0x8000  }
0x65: {  	[sflag:s15] =	ssyncset.done $0x0  }
0x66: {  	[sflag:s15] =	ssyncadd.s32 $0xFFFF8000  }
0x67: {  	[spmem:s1] =	stream.indirect.scatter.add.f32 [tilespmem:s14], [sflag:$0x2], $0x10, s19, s13, $0xb8;
	[tilespmem:$0xF810] =	vst v63  }
0x68: {  	_ =	swait.ge [sflag:s7], $0x8000  }
0x69: {  	[sflag:s7] =	ssyncset.done $0x0  }
0x6a: {  	[sflag:s7] =	ssyncadd.s32 $0xFFFF8000  }
0x6b: {  	[tilespmem:s14], [sflag:$0x1] =	stream.indirect.gather [hbm4b:s4+s13], $0x10, s20, s13, $0xb8;
	[tilespmem:$0xF810] =	vst v63  }
0x6c: {  	_ =	swait.ge [sflag:s15], $0x8000  }
0x6d: {  	[sflag:s15] =	ssyncset.done $0x0  }
0x6e: {  	[sflag:s15] =	ssyncadd.s32 $0xFFFF8000  }
0x6f: {  	[spmem:s1] =	stream.indirect.scatter.add.f32 [tilespmem:s14], [sflag:$0x2], $0x10, s21, s13, $0xb8;
	[tilespmem:$0xF810] =	vst v63  }
0x70: {  	_ =	swait.ge [sflag:s7], $0x8000  }
0x71: {  	[sflag:s7] =	ssyncset.done $0x0  }
0x72: {  	[sflag:s7] =	ssyncadd.s32 $0xFFFF8000  }
0x73: {  	[tilespmem:s14], [sflag:$0x1] =	stream.indirect.gather [hbm4b:s4+s13], $0x10, s22, s13, $0xb8;
	[tilespmem:$0xF810] =	vst v63  }
0x74: {  	_ =	swait.ge [sflag:s15], $0x8000  }
0x75: {  	[sflag:s15] =	ssyncset.done $0x0  }
0x76: {  	[sflag:s15] =	ssyncadd.s32 $0xFFFF8000  }
0x77: {  	[spmem:s1] =	stream.indirect.scatter.add.f32 [tilespmem:s14], [sflag:$0x2], $0x10, s23, s13, $0xb8;
	[tilespmem:$0xF810] =	vst v63  }
0x78: {  	_ =	swait.ge [sflag:s7], $0x8000  }
0x79: {  	[sflag:s7] =	ssyncset.done $0x0  }
.Ltmp1:
0x7a: {  	[sflag:s7] =	ssyncadd.s32 $0xFFFF8000;
	(pc) =	sbr.rel @p0 .LBB2_1-.Ltmp1, $4  }
0x7b: {  	[bflag:$0x0] =	sbarrier.arrive $0xFFFF  }
0x7c: {  	[hbm:s24], [sflag:s6] =	dma.local [spmem:s8], $0x500  }
0x7d: {  	_ =	swait.ge [sflag:s7], $0x500  }
0x7e: {  	[sflag:s7] =	ssyncset.done $0x0  }
.LBB2_2:
0x7f: {  	[sflag:s7] =	ssyncadd.s32 $0xFFFFFB00  }
0x80: {  	_ =	sfence.sel $0x180000  }
0x81: {  	[bflag:$0x0] =	sbarrier.arrive $0xFFFF  }
0x82: {  	p0 =	sne.s32 s2, $0x0;
	_ =	strace $0x9000004A  }
0x83: {  	s0 =	sadd.s32 @!p0 $0x100000, s0;
	[bflag:$0x2] =	sbarrier.arrive $0xFFFF  }
0x84: {  	[sflag:s0] =	ssyncadd.tile.s32 @!p0 $0x1;
	_ =	shalt  }
.Lfunc_end2:
_tile_overlayer_lowered:
.L_overlay_start_2:
0x85: {  	(tag) =	ssettag $0x2  }
0x86: {  	s0 =	rddreg [dreg:$0x0];
	s2 =	stileid.u32  }
0x87: {  	s1 =	rddreg [dreg:$0x1];
	p0 =	sne.s32 s2, $0x0  }
0x88: {  	s3 =	rddreg [dreg:$0x2];
	[bflag:$0x3] =	sbarrier.arrive $0xFFFF;
	s2 =	simm.s32 @!p0 $0x1C02  }
0x89: {  	[timem:s3], [sflag:s2] =	dma.local @!p0 [hbm:s0], s1  }
0x8a: {  	s0 =	simm.s32 @!p0 $0x2  }
0x8b: {  	_ =	swait.ge @!p0 [sflag:s0], s1  }
0x8c: {  	s1 =	ssub.s32 @!p0 $0x0, s1;
	[sflag:s0] =	ssyncset.done @!p0 $0x0  }
0x8d: {  	[sflag:s0] =	ssyncadd.s32 @!p0 s1  }
0x8e: {  	[bflag:$0x3] =	sbarrier.arrive $0xFFFF  }
0x8f: {  	_ =	shalt  }

// kernel: kernel.15.cloned.1.call-start
scs
__scs_entry_jumppad:
0x0: {  	(pc) =	sbr.rel $0x88, $3  }
0x1: {  	(tag) =	ssettag $0x0;
	lr =	simm.s32 $0x1  }
0x2: {  	[smem:$0x3F99] =	sst lr;
	_ =	strace $0xD0000000  }
0x3: {  	_ = 	snop  }
0x4: {  	_ = 	snop  }
0x5: {  	_ = 	snop  }
0x6: {  	_ = 	snop  }
0x7: {  	_ = 	snop  }
__scs_overlays_trampoline_lowered:
0x8: {  	[smem:$0x3FA8] =	sst s0  }
0x9: {  	[smem:$0x3FA9] =	sst s1  }
0xa: {  	[smem:$0x3FAA] =	sst s2  }
0xb: {  	[smem:$0x3FAB] =	sst s3  }
0xc: {  	[smem:$0x3FAC] =	sst s4  }
0xd: {  	[smem:$0x3FAD] =	sst s5  }
0xe: {  	[smem:$0x3FAE] =	sst s6  }
0xf: {  	[smem:$0x3FAF] =	sst s7  }
0x10: {  	[smem:$0x3FB0] =	sst s8  }
0x11: {  	[smem:$0x3FB1] =	sst s9;
	s0 =	simm.s32 @!p0 $0x0  }
0x12: {  	s1 =	sld [smem:$0x3F97];
	s0 =	simm.s32 @p0 $0x1  }
0x13: {  	[smem:$0x3FB2] =	sst s0;
	s0 =	simm.s32 @!p1 $0x0  }
0x14: {  	s2 =	sld [smem:$0x3F96];
	s0 =	simm.s32 @p1 $0x1  }
0x15: {  	[smem:$0x3FB3] =	sst s0;
	s0 =	simm.s32 @!p2 $0x0  }
0x16: {  	s3 =	sld [smem:$0x3FDB];
	s0 =	simm.s32 @p2 $0x1  }
0x17: {  	s4 =	simm.s32 $0x1BF5;
	[smem:$0x3FB5] =	sst s0  }
0x18: {  	s0 =	sld [smem:$0x3F98];
	_ =	swait.ge [sflag:s4], $0x0  }
0x19: {  	s7 =	sld [smem:$0x3F99]  }
0x1a: {  	s8 =	sadd.s32 $0xFFFFE003, lr  }
0x1b: {  	s9 =	sadd.s32 $0xFFFFFEF7, lr;
	s5 =	simm.s32 $0xFFFFFFFF;
	p2 =	slt.u32 s8, $0xFFFFF086  }
0x1c: {  	p1 =	slt.u32 s9, $0xF7A;
	s5 =	simm.s32 @!p2 $0x0  }
0x1d: {  	s5 =	simm.s32 @p1 $0x1;
	p0 =	seq.s32 s7, s2  }
0x1e: {  	s7 =	smul.u32 @!p0 $0xF7A, s2;
	p2 =	seq.s32 @!p0 s5, $0x0  }
0x1f: {  	s9 =	smul.u32 $0xF7A, s1;
	s8 =	simm.s32 @!p0 $0x1BF5;
	p2 =	por !p2, p0  }
0x20: {  	[sflag:s8] =	ssyncset.s32 @!p0 $0xFFFFF086;
	s6 =	sadd.s32 @!p0 s3, s7;
	s7 =	simm.s32 @!p0 $0x108  }
0x21: {  	s3 =	sadd.s32 s3, s9;
	s6 =	sadd.s32 @!p0 $0x88, s6;
	s7 =	simm.s32 @p2 $0x1082  }
0x22: {  	[simem:s7], [sflag:s8] =	dma.local @!p0 [hbm:s6], $0xF7A  }
0x23: {  	s9 =	sor.u32 $0xD0000000, s2;
	s6 =	simm.s32 $0x108;
	_ =	swait.ge @!p0 [sflag:s8], $0x0  }
0x24: {  	s3 =	sadd.s32 $0x88, s3;
	s6 =	simm.s32 @!p1 $0x1082;
	[sflag:s4] =	ssyncset.s32 $0xFFFFF086  }
0x25: {  	[simem:s6], [sflag:s4] =	dma.local [hbm:s3], $0xF7A  }
0x26: {  	[smem:$0x3F99] =	sst s1;
	(tag) =	ssettag s2;
	_ =	strace s9  }
0x27: {  	s1 =	sld [smem:$0x3FA9]  }
0x28: {  	s2 =	sld [smem:$0x3FAA]  }
0x29: {  	s4 =	sld [smem:$0x3FAC]  }
0x2a: {  	p0 =	seq.s32 s5, $0x0;
	s5 =	sld [smem:$0x3FAD]  }
0x2b: {  	s6 =	sld [smem:$0x3FAE]  }
0x2c: {  	s7 =	sld [smem:$0x3FAF]  }
0x2d: {  	s3 =	simm.s32 $0x108;
	s8 =	sld [smem:$0x3FB0]  }
0x2e: {  	s3 =	simm.s32 @!p0 $0x1082;
	s9 =	sld [smem:$0x3FB1]  }
0x2f: {  	lr =	sadd.s32 s0, s3;
	s0 =	sld [smem:$0x3FA8]  }
0x30: {  	s3 =	sld [smem:$0x3FAB]  }
0x31: {  	[smem:$0x3FB4] =	sst s10  }
0x32: {  	s10 =	sld [smem:$0x3FB2];
	_ =	sdelay $0x3  }
0x33: {  	p0 =	seq.s32 s10, $0x1;
	s10 =	sld [smem:$0x3FB4];
	_ =	sdelay $0x3  }
0x34: {  	[smem:$0x3FB4] =	sst s10  }
0x35: {  	s10 =	sld [smem:$0x3FB3];
	_ =	sdelay $0x3  }
0x36: {  	p1 =	seq.s32 s10, $0x1;
	s10 =	sld [smem:$0x3FB4];
	_ =	sdelay $0x3  }
0x37: {  	[smem:$0x3FB4] =	sst s10  }
0x38: {  	s10 =	sld [smem:$0x3FB5]  }
0x39: {  	_ = 	snop;
	(pc) =	sbr.ind lr, $3  }
0x3a: {  	_ = 	snop  }
0x3b: {  	_ = 	snop  }
0x3c: {  	p2 =	seq.s32 s10, $0x1;
	s10 =	sld [smem:$0x3FB4]  }
0x3d: {  	_ =	shalt  }
0x3e: {  	_ =	shalt  }
0x3f: {  	_ =	shalt  }
0x40: {  	_ =	shalt  }
0x41: {  	_ =	shalt  }
0x42: {  	_ =	shalt  }
0x43: {  	_ =	shalt  }
0x44: {  	_ =	shalt  }
0x45: {  	_ =	shalt  }
0x46: {  	_ =	shalt  }
0x47: {  	_ =	shalt  }
0x48: {  	_ =	shalt  }
0x49: {  	_ =	shalt  }
0x4a: {  	_ =	shalt  }
0x4b: {  	_ =	shalt  }
0x4c: {  	_ =	shalt  }
0x4d: {  	_ =	shalt  }
0x4e: {  	_ =	shalt  }
0x4f: {  	_ =	shalt  }
0x50: {  	_ =	shalt  }
0x51: {  	_ =	shalt  }
0x52: {  	_ =	shalt  }
0x53: {  	_ =	shalt  }
0x54: {  	_ =	shalt  }
0x55: {  	_ =	shalt  }
0x56: {  	_ =	shalt  }
0x57: {  	_ =	shalt  }
0x58: {  	_ =	shalt  }
0x59: {  	_ =	shalt  }
0x5a: {  	_ =	shalt  }
0x5b: {  	_ =	shalt  }
0x5c: {  	_ =	shalt  }
0x5d: {  	_ =	shalt  }
0x5e: {  	_ =	shalt  }
0x5f: {  	_ =	shalt  }
0x60: {  	_ =	shalt  }
0x61: {  	_ =	shalt  }
0x62: {  	_ =	shalt  }
0x63: {  	_ =	shalt  }
0x64: {  	_ =	shalt  }
0x65: {  	_ =	shalt  }
0x66: {  	_ =	shalt  }
0x67: {  	_ =	shalt  }
0x68: {  	_ =	shalt  }
0x69: {  	_ =	shalt  }
0x6a: {  	_ =	shalt  }
0x6b: {  	_ =	shalt  }
0x6c: {  	_ =	shalt  }
0x6d: {  	_ =	shalt  }
0x6e: {  	_ =	shalt  }
0x6f: {  	_ =	shalt  }
0x70: {  	_ =	shalt  }
0x71: {  	_ =	shalt  }
0x72: {  	_ =	shalt  }
0x73: {  	_ =	shalt  }
0x74: {  	_ =	shalt  }
0x75: {  	_ =	shalt  }
0x76: {  	_ =	shalt  }
0x77: {  	_ =	shalt  }
0x78: {  	_ =	shalt  }
0x79: {  	_ =	shalt  }
0x7a: {  	_ =	shalt  }
0x7b: {  	_ =	shalt  }
0x7c: {  	_ =	shalt  }
0x7d: {  	_ =	shalt  }
0x7e: {  	_ =	shalt  }
0x7f: {  	_ =	shalt  }
0x80: {  	_ =	shalt  }
0x81: {  	_ =	shalt  }
0x82: {  	_ =	shalt  }
0x83: {  	_ =	shalt  }
0x84: {  	_ =	shalt  }
0x85: {  	_ =	shalt  }
0x86: {  	_ =	shalt  }
0x87: {  	_ =	shalt  }
.Lfunc_end0:
.L_simem_size_0:
called_computation.2_lowered:
.L_overlay_start_0:
0x88: {  	s2 =	sld [smem:$0x3FD9]  }
0x89: {  	s3 =	sld [smem:$0x3FFE];
	_ =	sdelay $0x1  }
0x8a: {  	s1 =	srdreg.scid  }
0x8b: {  	s0 =	sand.u32 $0x1, s1  }
0x8c: {  	s17 =	sshll.u32 s0, $0xA;
	s2 =	sadd.s32 s3, s2  }
0x8d: {  	s2 =	sadd.s32 s2, s17  }
0x8e: {  	[smem:$0x3FC0] =	sst s2  }
0x8f: {  	_ = 	snop  }
0x90: {  	s2 =	sld [smem:$0x3FD0];
	(tm) =	ssettm $0x1  }
0x91: {  	s18 =	sld [smem:$0x3FFB];
	_ =	sdelay $0x3  }
0x92: {  	_ =	strace s18  }
0x93: {  	s3 =	sld [smem:$0x3FFC];
	_ =	sdelay $0x3  }
0x94: {  	_ =	strace s3  }
0x95: {  	s3 =	sld [smem:$0x3FFD];
	_ =	sdelay $0x3  }
0x96: {  	_ =	strace s3  }
0x97: {  	_ =	strace $0x8FFFFFFF  }
0x98: {  	s19 =	sld [smem:$0x3FDB];
	_ =	sdelay $0x1  }
0x99: {  	s4 =	simm.s32 $_scs_section_size  }
0x9a: {  	s5 =	simm.s32 $_size__tile_overlayer_lowered;
	s6 =	simm.s32 $_tile_overlayer_lowered  }
0x9b: {  	s22 =	simm.s32 $0x1BFF;
	s21 =	sshll.u32 s6, $0x1;
	s3 =	sadd.s32 s4, s19  }
0x9c: {  	s7 =	simm.s32 $0x0;
	s20 =	sshll.u32 s5, $0x1;
	s5 =	sadd.s32 s21, s3  }
0x9d: {  	[timem:s7], [sflag:s22] =	dma.local [hbm:s5], s20  }
0x9e: {  	_ =	swait.ge [sflag:s22], s20  }
0x9f: {  	s4 =	ssub.s32 $0x0, s20;
	[sflag:s22] =	ssyncset.done $0x0  }
0xa0: {  	[sflag:s22] =	ssyncadd.s32 s4;
	_ =	sdelay $0x1  }
0xa1: {  	s23 =	simm.s32 $0x1B8B  }
0xa2: {  	_ =	swait.ge [sflag:s23], $0x1  }
0xa3: {  	[sflag:s23] =	ssyncset.done $0x0  }
0xa4: {  	s25 =	simm.s32 $0x1B8E;
	s24 =	sld [smem:$0x3FFE];
	[sflag:s23] =	ssyncadd.s32 $0xFFFFFFFF  }
0xa5: {  	s26 =	simm.s32 $execute0_lowered;
	[smem:$0x3FD2] =	sst s25  }
0xa6: {  	s5 =	sshll.u32 s26, $0x1;
	_ =	strace $0x8000004C;
	[dreg:$0x1] =	wrdreg $0xFFFFFFFF  }
0xa7: {  	s28 =	simm.s32 $_size_execute0_lowered;
	s3 =	sadd.s32 s3, s5;
	[dreg:$0x0] =	wrdreg $0x0  }
0xa8: {  	s5 =	sshll.u32 s28, $0x1;
	[dreg:$0x2] =	wrdreg s3  }
0xa9: {  	[dreg:$0x3] =	wrdreg s5  }
0xaa: {  	[dreg:$0x4] =	wrdreg $0xC0  }
0xab: {  	_ =	task [dreg:s7], $0x5FFFF  }
0xac: {  	[dreg:$0x1] =	wrdreg $0xFFFFFFFF  }
0xad: {  	[dreg:$0x0] =	wrdreg $0x60  }
0xae: {  	[dreg:$0x2] =	wrdreg s24  }
0xaf: {  	[dreg:$0x3] =	wrdreg s2  }
0xb0: {  	[dreg:$0x4] =	wrdreg $0x0  }
0xb1: {  	[dreg:$0x5] =	wrdreg $0x9  }
0xb2: {  	_ =	task.clear_ibuf [dreg:s7], $0x6FFFF;
	_ =	strace $0x9000004C  }
0xb3: {  	s29 =	simm.s32 $0x9;
	_ =	strace $0x8000004E  }
0xb4: {  	_ =	swait.ge [sflag:s29], $0x1  }
0xb5: {  	[sflag:s29] =	ssyncadd.s32 $0xFFFFFFFF  }
0xb6: {  	_ =	strace $0x9000004E  }
0xb7: {  	_ =	sfence  }
0xb8: {  	s30 =	sld [smem:$0x0];
	_ =	sdelay $0x2  }
0xb9: {  	s31 =	sshll.u32 s1, $0xD;
	s1 =	sshrl.u32 s1, $0x2  }
0xba: {  	s3 =	sand.u32 $0x4000, s31;
	s1 =	sadd.s32 s1, s30  }
0xbb: {  	s0 =	sor.u32 s3, s0;
	s1 =	sshll.u32 s1, $0x11  }
0xbc: {  	s0 =	sor.u32 s1, s0  }
0xbd: {  	s0 =	sadd.s32 $0x8F2B, s0  }
0xbe: {  	[sflag:s0] =	ssyncadd.remote.s32 $0x1  }
0xbf: {  	_ =	sfence.sel $0xFFFF  }
0xc0: {  	[dreg:$0x0] =	wrdreg $0xFFFFFFFF;
	(pc) =	sbr.abs _section_cstart, $3  }
0xc1: {  	[dreg:$0x1] =	wrdreg $0xFFFFFFFF  }
0xc2: {  	_ =	task.clear_ibuf [dreg:s7], $0x2FFFF;
	_ =	strace $0x9FFFFFFF  }
0xc3: {  	(tm) =	ssettm $0x7FFFFFFF  }
tec
execute0_lowered:
.L_overlay_start_1:
0x0: {  	(tag) =	ssettag $0x1  }
0x1: {  	s24 =	rddreg [dreg:$0x0]  }
0x2: {  	s9 =	rddreg [dreg:$0x1]  }
0x3: {  	s1 =	rddreg [dreg:$0x2]  }
0x4: {  	s0 =	rddreg [dreg:$0x3]  }
0x5: {  	s3 =	simm.s32 $0x0;
	s5 =	srdreg.scid;
	s2 =	stileid.u32  }
0x6: {  	[smem:$0x7FF] =	sst s3;
	s4 =	sadd.s32 $0x1400, s24;
	s25 =	sand.u32 $0x1, s5  }
0x7: {  	s26 =	smul.u32 $0x2800, s2;
	s5 =	sadd.s32 $0x10400, s24;
	s30 =	sshll.u32 s2, $0x6  }
0x8: {  	_ =	strace $0x8000004D;
	s6 =	sshll.u32 s25, $0x4;
	p0 =	seq.s32 s25, $0x1  }
0x9: {  	s7 =	smov.u32 s4;
	s10 =	sor.u32 s2, s6;
	s29 =	sshrl.u32 s26, $0x3  }
0xa: {  	s7 =	smov.u32 @p0 s5;
	s8 =	sadd.s32 s26, s1;
	s6 =	sor.u32 $0x1C02, s30  }
0xb: {  	s5 =	sadd.s32 s7, s29;
	s8 =	sshrl.u32 s8, $0x3;
	s7 =	simm.s32 $0x2  }
0xc: {  	[spmem:s8], [sflag:s6] =	dma.local [hbm:s5], $0x500  }
0xd: {  	s11 =	smul.u32 $0x500, s10;
	_ =	swait.ge [sflag:s7], $0x500  }
0xe: {  	[sflag:s7] =	ssyncset.done $0x0  }
0xf: {  	s10 =	simm.s32 $0x2810;
	s9 =	sadd.s32 s9, s11;
	[sflag:s7] =	ssyncadd.s32 $0xFFFFFB00  }
0x10: {  	[tilespmem:s10], [sflag:$0x2] =	stream.linear.gather [hbm4b:s9+s3], $0x2800, $0x38;
	[tilespmem:$0xF810] =	vst v63  }
0x11: {  	_ =	swait.ge [sflag:s7], $0x2800  }
0x12: {  	s11 =	sadd.s32 s11, s24;
	[sflag:s7] =	ssyncset.done $0x0  }
0x13: {  	s12 =	simm.s32 $0x5010;
	s11 =	sadd.s32 $0x6400, s11;
	[sflag:s7] =	ssyncadd.s32 $0xFFFFD800  }
0x14: {  	[tilespmem:s12], [sflag:$0x2] =	stream.linear.gather [hbm4b:s11+s3], $0x2800, $0x38;
	[tilespmem:$0xF810] =	vst v63  }
0x15: {  	_ =	swait.ge [sflag:s7], $0x2800  }
0x16: {  	[sflag:s7] =	ssyncset.done $0x0  }
0x17: {  	s13 =	simm.s32 $0x800;
	[sflag:s7] =	ssyncadd.s32 $0xFFFFD800  }
0x18: {  	s14 =	simm.s32 $0x7810;
	s15 =	simm.s32 $0x1;
	[bflag:$0x0] =	sbarrier.arrive $0xFFFF  }
0x19: {  	[tilespmem:s14], [sflag:$0x1] =	stream.indirect.gather [hbm4b:s4+s13], $0x10, s10, s13, $0xb8;
	[tilespmem:$0xF810] =	vst v63  }
0x1a: {  	_ =	swait.ge [sflag:s15], $0x8000  }
0x1b: {  	[sflag:s15] =	ssyncset.done $0x0  }
0x1c: {  	[sflag:s15] =	ssyncadd.s32 $0xFFFF8000  }
0x1d: {  	[spmem:s1] =	stream.indirect.scatter.add.f32 [tilespmem:s14], [sflag:$0x2], $0x10, s12, s13, $0xb8;
	[tilespmem:$0xF810] =	vst v63  }
0x1e: {  	_ =	swait.ge [sflag:s7], $0x8000  }
0x1f: {  	[sflag:s7] =	ssyncset.done $0x0  }
0x20: {  	s16 =	simm.s32 $0x3010;
	[sflag:s7] =	ssyncadd.s32 $0xFFFF8000  }
0x21: {  	[tilespmem:s14], [sflag:$0x1] =	stream.indirect.gather [hbm4b:s4+s13], $0x10, s16, s13, $0xb8;
	[tilespmem:$0xF810] =	vst v63  }
0x22: {  	_ =	swait.ge [sflag:s15], $0x8000  }
0x23: {  	[sflag:s15] =	ssyncset.done $0x0  }
0x24: {  	s17 =	simm.s32 $0x5810;
	[sflag:s15] =	ssyncadd.s32 $0xFFFF8000  }
0x25: {  	[spmem:s1] =	stream.indirect.scatter.add.f32 [tilespmem:s14], [sflag:$0x2], $0x10, s17, s13, $0xb8;
	[tilespmem:$0xF810] =	vst v63  }
0x26: {  	_ =	swait.ge [sflag:s7], $0x8000  }
0x27: {  	[sflag:s7] =	ssyncset.done $0x0  }
0x28: {  	s18 =	simm.s32 $0x3810;
	[sflag:s7] =	ssyncadd.s32 $0xFFFF8000  }
0x29: {  	[tilespmem:s14], [sflag:$0x1] =	stream.indirect.gather [hbm4b:s4+s13], $0x10, s18, s13, $0xb8;
	[tilespmem:$0xF810] =	vst v63  }
0x2a: {  	_ =	swait.ge [sflag:s15], $0x8000  }
0x2b: {  	[sflag:s15] =	ssyncset.done $0x0  }
0x2c: {  	s19 =	simm.s32 $0x6010;
	[sflag:s15] =	ssyncadd.s32 $0xFFFF8000  }
0x2d: {  	[spmem:s1] =	stream.indirect.scatter.add.f32 [tilespmem:s14], [sflag:$0x2], $0x10, s19, s13, $0xb8;
	[tilespmem:$0xF810] =	vst v63  }
0x2e: {  	_ =	swait.ge [sflag:s7], $0x8000  }
0x2f: {  	[sflag:s7] =	ssyncset.done $0x0  }
0x30: {  	s20 =	simm.s32 $0x4010;
	[sflag:s7] =	ssyncadd.s32 $0xFFFF8000  }
0x31: {  	[tilespmem:s14], [sflag:$0x1] =	stream.indirect.gather [hbm4b:s4+s13], $0x10, s20, s13, $0xb8;
	[tilespmem:$0xF810] =	vst v63  }
0x32: {  	_ =	swait.ge [sflag:s15], $0x8000  }
0x33: {  	[sflag:s15] =	ssyncset.done $0x0  }
0x34: {  	s21 =	simm.s32 $0x6810;
	[sflag:s15] =	ssyncadd.s32 $0xFFFF8000  }
0x35: {  	[spmem:s1] =	stream.indirect.scatter.add.f32 [tilespmem:s14], [sflag:$0x2], $0x10, s21, s13, $0xb8;
	[tilespmem:$0xF810] =	vst v63  }
0x36: {  	_ =	swait.ge [sflag:s7], $0x8000  }
0x37: {  	[sflag:s7] =	ssyncset.done $0x0  }
0x38: {  	s22 =	simm.s32 $0x4810;
	[sflag:s7] =	ssyncadd.s32 $0xFFFF8000  }
0x39: {  	[tilespmem:s14], [sflag:$0x1] =	stream.indirect.gather [hbm4b:s4+s13], $0x10, s22, s13, $0xb8;
	[tilespmem:$0xF810] =	vst v63  }
0x3a: {  	s28 =	smul.u32 $0x28000, s25;
	s25 =	ssub.s32 $0x2, s25;
	_ =	swait.ge [sflag:s15], $0x8000  }
0x3b: {  	s31 =	sshrl.u32 s25, $0x1;
	[sflag:s15] =	ssyncset.done $0x0  }
0x3c: {  	s23 =	simm.s32 $0x7010;
	s25 =	ssub.s32 s25, s31;
	[sflag:s15] =	ssyncadd.s32 $0xFFFF8000  }
0x3d: {  	[spmem:s1] =	stream.indirect.scatter.add.f32 [tilespmem:s14], [sflag:$0x2], $0x10, s23, s13, $0xb8;
	[tilespmem:$0xF810] =	vst v63  }
0x3e: {  	s26 =	sadd.s32 s26, s28;
	s25 =	smax.u32 s25, $0x1;
	_ =	swait.ge [sflag:s7], $0x8000  }
0x3f: {  	s26 =	sshrl.u32 s26, $0x3;
	p0 =	sne.s32 s25, $0x1;
	[sflag:s7] =	ssyncset.done $0x0  }
.Ltmp0:
0x40: {  	s24 =	sadd.s32 s26, s24;
	[sflag:s7] =	ssyncadd.s32 $0xFFFF8000;
	(pc) =	sbr.rel @!p0 .LBB2_2-.Ltmp0, $4  }
0x41: {  	s24 =	sadd.s32 $0x15400, s24;
	[bflag:$0x0] =	sbarrier.arrive $0xFFFF  }
0x42: {  	[hbm:s24], [sflag:s6] =	dma.local [spmem:s8], $0x500  }
0x43: {  	_ =	swait.ge [sflag:s7], $0x500  }
0x44: {  	s25 =	sadd.s32 $0xFFFFFFFF, s25;
	[sflag:s7] =	ssyncset.done $0x0  }
.LBB2_1:
0x45: {  	p0 =	sne.s32 s25, $0x1;
	s25 =	sadd.s32 $0xFFFFFFFF, s25;
	[sflag:s7] =	ssyncadd.s32 $0xFFFFFB00  }
0x46: {  	[spmem:s8], [sflag:s6] =	dma.local [hbm:s5], $0x500  }
0x47: {  	_ =	swait.ge [sflag:s7], $0x500  }
0x48: {  	[sflag:s7] =	ssyncset.done $0x0  }
0x49: {  	[sflag:s7] =	ssyncadd.s32 $0xFFFFFB00  }
0x4a: {  	[tilespmem:s10], [sflag:$0x2] =	stream.linear.gather [hbm4b:s9+s3], $0x2800, $0x38;
	[tilespmem:$0xF810] =	vst v63  }
0x4b: {  	_ =	swait.ge [sflag:s7], $0x2800  }
0x4c: {  	[sflag:s7] =	ssyncset.done $0x0  }
0x4d: {  	[sflag:s7] =	ssyncadd.s32 $0xFFFFD800  }
0x4e: {  	[tilespmem:s12], [sflag:$0x2] =	stream.linear.gather [hbm4b:s11+s3], $0x2800, $0x38;
	[tilespmem:$0xF810] =	vst v63  }
0x4f: {  	_ =	swait.ge [sflag:s7], $0x2800  }
0x50: {  	[sflag:s7] =	ssyncset.done $0x0  }
0x51: {  	[sflag:s7] =	ssyncadd.s32 $0xFFFFD800  }
0x52: {  	[bflag:$0x0] =	sbarrier.arrive $0xFFFF  }
0x53: {  	[tilespmem:s14], [sflag:$0x1] =	stream.indirect.gather [hbm4b:s4+s13], $0x10, s10, s13, $0xb8;
	[tilespmem:$0xF810] =	vst v63  }
0x54: {  	_ =	swait.ge [sflag:s15], $0x8000  }
0x55: {  	[sflag:s15] =	ssyncset.done $0x0  }
0x56: {  	[sflag:s15] =	ssyncadd.s32 $0xFFFF8000  }
0x57: {  	[spmem:s1] =	stream.indirect.scatter.add.f32 [tilespmem:s14], [sflag:$0x2], $0x10, s12, s13, $0xb8;
	[tilespmem:$0xF810] =	vst v63  }
0x58: {  	_ =	swait.ge [sflag:s7], $0x8000  }
0x59: {  	[sflag:s7] =	ssyncset.done $0x0  }
0x5a: {  	[sflag:s7] =	ssyncadd.s32 $0xFFFF8000  }
0x5b: {  	[tilespmem:s14], [sflag:$0x1] =	stream.indirect.gather [hbm4b:s4+s13], $0x10, s16, s13, $0xb8;
	[tilespmem:$0xF810] =	vst v63  }
0x5c: {  	_ =	swait.ge [sflag:s15], $0x8000  }
0x5d: {  	[sflag:s15] =	ssyncset.done $0x0  }
0x5e: {  	[sflag:s15] =	ssyncadd.s32 $0xFFFF8000  }
0x5f: {  	[spmem:s1] =	stream.indirect.scatter.add.f32 [tilespmem:s14], [sflag:$0x2], $0x10, s17, s13, $0xb8;
	[tilespmem:$0xF810] =	vst v63  }
0x60: {  	_ =	swait.ge [sflag:s7], $0x8000  }
0x61: {  	[sflag:s7] =	ssyncset.done $0x0  }
0x62: {  	[sflag:s7] =	ssyncadd.s32 $0xFFFF8000  }
0x63: {  	[tilespmem:s14], [sflag:$0x1] =	stream.indirect.gather [hbm4b:s4+s13], $0x10, s18, s13, $0xb8;
	[tilespmem:$0xF810] =	vst v63  }
0x64: {  	_ =	swait.ge [sflag:s15], $0x8000  }
0x65: {  	[sflag:s15] =	ssyncset.done $0x0  }
0x66: {  	[sflag:s15] =	ssyncadd.s32 $0xFFFF8000  }
0x67: {  	[spmem:s1] =	stream.indirect.scatter.add.f32 [tilespmem:s14], [sflag:$0x2], $0x10, s19, s13, $0xb8;
	[tilespmem:$0xF810] =	vst v63  }
0x68: {  	_ =	swait.ge [sflag:s7], $0x8000  }
0x69: {  	[sflag:s7] =	ssyncset.done $0x0  }
0x6a: {  	[sflag:s7] =	ssyncadd.s32 $0xFFFF8000  }
0x6b: {  	[tilespmem:s14], [sflag:$0x1] =	stream.indirect.gather [hbm4b:s4+s13], $0x10, s20, s13, $0xb8;
	[tilespmem:$0xF810] =	vst v63  }
0x6c: {  	_ =	swait.ge [sflag:s15], $0x8000  }
0x6d: {  	[sflag:s15] =	ssyncset.done $0x0  }
0x6e: {  	[sflag:s15] =	ssyncadd.s32 $0xFFFF8000  }
0x6f: {  	[spmem:s1] =	stream.indirect.scatter.add.f32 [tilespmem:s14], [sflag:$0x2], $0x10, s21, s13, $0xb8;
	[tilespmem:$0xF810] =	vst v63  }
0x70: {  	_ =	swait.ge [sflag:s7], $0x8000  }
0x71: {  	[sflag:s7] =	ssyncset.done $0x0  }
0x72: {  	[sflag:s7] =	ssyncadd.s32 $0xFFFF8000  }
0x73: {  	[tilespmem:s14], [sflag:$0x1] =	stream.indirect.gather [hbm4b:s4+s13], $0x10, s22, s13, $0xb8;
	[tilespmem:$0xF810] =	vst v63  }
0x74: {  	_ =	swait.ge [sflag:s15], $0x8000  }
0x75: {  	[sflag:s15] =	ssyncset.done $0x0  }
0x76: {  	[sflag:s15] =	ssyncadd.s32 $0xFFFF8000  }
0x77: {  	[spmem:s1] =	stream.indirect.scatter.add.f32 [tilespmem:s14], [sflag:$0x2], $0x10, s23, s13, $0xb8;
	[tilespmem:$0xF810] =	vst v63  }
0x78: {  	_ =	swait.ge [sflag:s7], $0x8000  }
0x79: {  	[sflag:s7] =	ssyncset.done $0x0  }
.Ltmp1:
0x7a: {  	[sflag:s7] =	ssyncadd.s32 $0xFFFF8000;
	(pc) =	sbr.rel @p0 .LBB2_1-.Ltmp1, $4  }
0x7b: {  	[bflag:$0x0] =	sbarrier.arrive $0xFFFF  }
0x7c: {  	[hbm:s24], [sflag:s6] =	dma.local [spmem:s8], $0x500  }
0x7d: {  	_ =	swait.ge [sflag:s7], $0x500  }
0x7e: {  	[sflag:s7] =	ssyncset.done $0x0  }
.LBB2_2:
0x7f: {  	[sflag:s7] =	ssyncadd.s32 $0xFFFFFB00  }
0x80: {  	_ =	sfence.sel $0x180000  }
0x81: {  	[bflag:$0x0] =	sbarrier.arrive $0xFFFF  }
0x82: {  	p0 =	sne.s32 s2, $0x0;
	_ =	strace $0x9000004D  }
0x83: {  	s0 =	sadd.s32 @!p0 $0x100000, s0;
	[bflag:$0x2] =	sbarrier.arrive $0xFFFF  }
0x84: {  	[sflag:s0] =	ssyncadd.tile.s32 @!p0 $0x1;
	_ =	shalt  }
.Lfunc_end2:
_tile_overlayer_lowered:
.L_overlay_start_2:
0x85: {  	(tag) =	ssettag $0x2  }
0x86: {  	s0 =	rddreg [dreg:$0x0];
	s2 =	stileid.u32  }
0x87: {  	s1 =	rddreg [dreg:$0x1];
	p0 =	sne.s32 s2, $0x0  }
0x88: {  	s3 =	rddreg [dreg:$0x2];
	[bflag:$0x3] =	sbarrier.arrive $0xFFFF;
	s2 =	simm.s32 @!p0 $0x1C02  }
0x89: {  	[timem:s3], [sflag:s2] =	dma.local @!p0 [hbm:s0], s1  }
0x8a: {  	s0 =	simm.s32 @!p0 $0x2  }
0x8b: {  	_ =	swait.ge @!p0 [sflag:s0], s1  }
0x8c: {  	s1 =	ssub.s32 @!p0 $0x0, s1;
	[sflag:s0] =	ssyncset.done @!p0 $0x0  }
0x8d: {  	[sflag:s0] =	ssyncadd.s32 @!p0 s1  }
0x8e: {  	[bflag:$0x3] =	sbarrier.arrive $0xFFFF  }
0x8f: {  	_ =	shalt  }

// kernel: kernel.9.cloned.1.call-start
scs
__scs_entry_jumppad:
0x0: {  	(pc) =	sbr.rel $0x88, $3  }
0x1: {  	(tag) =	ssettag $0x0;
	lr =	simm.s32 $0x1  }
0x2: {  	[smem:$0x3F99] =	sst lr;
	_ =	strace $0xD0000000  }
0x3: {  	_ = 	snop  }
0x4: {  	_ = 	snop  }
0x5: {  	_ = 	snop  }
0x6: {  	_ = 	snop  }
0x7: {  	_ = 	snop  }
__scs_overlays_trampoline_lowered:
0x8: {  	[smem:$0x3FA8] =	sst s0  }
0x9: {  	[smem:$0x3FA9] =	sst s1  }
0xa: {  	[smem:$0x3FAA] =	sst s2  }
0xb: {  	[smem:$0x3FAB] =	sst s3  }
0xc: {  	[smem:$0x3FAC] =	sst s4  }
0xd: {  	[smem:$0x3FAD] =	sst s5  }
0xe: {  	[smem:$0x3FAE] =	sst s6  }
0xf: {  	[smem:$0x3FAF] =	sst s7  }
0x10: {  	[smem:$0x3FB0] =	sst s8  }
0x11: {  	[smem:$0x3FB1] =	sst s9;
	s0 =	simm.s32 @!p0 $0x0  }
0x12: {  	s1 =	sld [smem:$0x3F97];
	s0 =	simm.s32 @p0 $0x1  }
0x13: {  	[smem:$0x3FB2] =	sst s0;
	s0 =	simm.s32 @!p1 $0x0  }
0x14: {  	s2 =	sld [smem:$0x3F96];
	s0 =	simm.s32 @p1 $0x1  }
0x15: {  	[smem:$0x3FB3] =	sst s0;
	s0 =	simm.s32 @!p2 $0x0  }
0x16: {  	s3 =	sld [smem:$0x3FDB];
	s0 =	simm.s32 @p2 $0x1  }
0x17: {  	s4 =	simm.s32 $0x1BF5;
	[smem:$0x3FB5] =	sst s0  }
0x18: {  	s0 =	sld [smem:$0x3F98];
	_ =	swait.ge [sflag:s4], $0x0  }
0x19: {  	s7 =	sld [smem:$0x3F99]  }
0x1a: {  	s8 =	sadd.s32 $0xFFFFE003, lr  }
0x1b: {  	s9 =	sadd.s32 $0xFFFFFEF7, lr;
	s5 =	simm.s32 $0xFFFFFFFF;
	p2 =	slt.u32 s8, $0xFFFFF086  }
0x1c: {  	p1 =	slt.u32 s9, $0xF7A;
	s5 =	simm.s32 @!p2 $0x0  }
0x1d: {  	s5 =	simm.s32 @p1 $0x1;
	p0 =	seq.s32 s7, s2  }
0x1e: {  	s7 =	smul.u32 @!p0 $0xF7A, s2;
	p2 =	seq.s32 @!p0 s5, $0x0  }
0x1f: {  	s9 =	smul.u32 $0xF7A, s1;
	s8 =	simm.s32 @!p0 $0x1BF5;
	p2 =	por !p2, p0  }
0x20: {  	[sflag:s8] =	ssyncset.s32 @!p0 $0xFFFFF086;
	s6 =	sadd.s32 @!p0 s3, s7;
	s7 =	simm.s32 @!p0 $0x108  }
0x21: {  	s3 =	sadd.s32 s3, s9;
	s6 =	sadd.s32 @!p0 $0x88, s6;
	s7 =	simm.s32 @p2 $0x1082  }
0x22: {  	[simem:s7], [sflag:s8] =	dma.local @!p0 [hbm:s6], $0xF7A  }
0x23: {  	s9 =	sor.u32 $0xD0000000, s2;
	s6 =	simm.s32 $0x108;
	_ =	swait.ge @!p0 [sflag:s8], $0x0  }
0x24: {  	s3 =	sadd.s32 $0x88, s3;
	s6 =	simm.s32 @!p1 $0x1082;
	[sflag:s4] =	ssyncset.s32 $0xFFFFF086  }
0x25: {  	[simem:s6], [sflag:s4] =	dma.local [hbm:s3], $0xF7A  }
0x26: {  	[smem:$0x3F99] =	sst s1;
	(tag) =	ssettag s2;
	_ =	strace s9  }
0x27: {  	s1 =	sld [smem:$0x3FA9]  }
0x28: {  	s2 =	sld [smem:$0x3FAA]  }
0x29: {  	s4 =	sld [smem:$0x3FAC]  }
0x2a: {  	p0 =	seq.s32 s5, $0x0;
	s5 =	sld [smem:$0x3FAD]  }
0x2b: {  	s6 =	sld [smem:$0x3FAE]  }
0x2c: {  	s7 =	sld [smem:$0x3FAF]  }
0x2d: {  	s3 =	simm.s32 $0x108;
	s8 =	sld [smem:$0x3FB0]  }
0x2e: {  	s3 =	simm.s32 @!p0 $0x1082;
	s9 =	sld [smem:$0x3FB1]  }
0x2f: {  	lr =	sadd.s32 s0, s3;
	s0 =	sld [smem:$0x3FA8]  }
0x30: {  	s3 =	sld [smem:$0x3FAB]  }
0x31: {  	[smem:$0x3FB4] =	sst s10  }
0x32: {  	s10 =	sld [smem:$0x3FB2];
	_ =	sdelay $0x3  }
0x33: {  	p0 =	seq.s32 s10, $0x1;
	s10 =	sld [smem:$0x3FB4];
	_ =	sdelay $0x3  }
0x34: {  	[smem:$0x3FB4] =	sst s10  }
0x35: {  	s10 =	sld [smem:$0x3FB3];
	_ =	sdelay $0x3  }
0x36: {  	p1 =	seq.s32 s10, $0x1;
	s10 =	sld [smem:$0x3FB4];
	_ =	sdelay $0x3  }
0x37: {  	[smem:$0x3FB4] =	sst s10  }
0x38: {  	s10 =	sld [smem:$0x3FB5]  }
0x39: {  	_ = 	snop;
	(pc) =	sbr.ind lr, $3  }
0x3a: {  	_ = 	snop  }
0x3b: {  	_ = 	snop  }
0x3c: {  	p2 =	seq.s32 s10, $0x1;
	s10 =	sld [smem:$0x3FB4]  }
0x3d: {  	_ =	shalt  }
0x3e: {  	_ =	shalt  }
0x3f: {  	_ =	shalt  }
0x40: {  	_ =	shalt  }
0x41: {  	_ =	shalt  }
0x42: {  	_ =	shalt  }
0x43: {  	_ =	shalt  }
0x44: {  	_ =	shalt  }
0x45: {  	_ =	shalt  }
0x46: {  	_ =	shalt  }
0x47: {  	_ =	shalt  }
0x48: {  	_ =	shalt  }
0x49: {  	_ =	shalt  }
0x4a: {  	_ =	shalt  }
0x4b: {  	_ =	shalt  }
0x4c: {  	_ =	shalt  }
0x4d: {  	_ =	shalt  }
0x4e: {  	_ =	shalt  }
0x4f: {  	_ =	shalt  }
0x50: {  	_ =	shalt  }
0x51: {  	_ =	shalt  }
0x52: {  	_ =	shalt  }
0x53: {  	_ =	shalt  }
0x54: {  	_ =	shalt  }
0x55: {  	_ =	shalt  }
0x56: {  	_ =	shalt  }
0x57: {  	_ =	shalt  }
0x58: {  	_ =	shalt  }
0x59: {  	_ =	shalt  }
0x5a: {  	_ =	shalt  }
0x5b: {  	_ =	shalt  }
0x5c: {  	_ =	shalt  }
0x5d: {  	_ =	shalt  }
0x5e: {  	_ =	shalt  }
0x5f: {  	_ =	shalt  }
0x60: {  	_ =	shalt  }
0x61: {  	_ =	shalt  }
0x62: {  	_ =	shalt  }
0x63: {  	_ =	shalt  }
0x64: {  	_ =	shalt  }
0x65: {  	_ =	shalt  }
0x66: {  	_ =	shalt  }
0x67: {  	_ =	shalt  }
0x68: {  	_ =	shalt  }
0x69: {  	_ =	shalt  }
0x6a: {  	_ =	shalt  }
0x6b: {  	_ =	shalt  }
0x6c: {  	_ =	shalt  }
0x6d: {  	_ =	shalt  }
0x6e: {  	_ =	shalt  }
0x6f: {  	_ =	shalt  }
0x70: {  	_ =	shalt  }
0x71: {  	_ =	shalt  }
0x72: {  	_ =	shalt  }
0x73: {  	_ =	shalt  }
0x74: {  	_ =	shalt  }
0x75: {  	_ =	shalt  }
0x76: {  	_ =	shalt  }
0x77: {  	_ =	shalt  }
0x78: {  	_ =	shalt  }
0x79: {  	_ =	shalt  }
0x7a: {  	_ =	shalt  }
0x7b: {  	_ =	shalt  }
0x7c: {  	_ =	shalt  }
0x7d: {  	_ =	shalt  }
0x7e: {  	_ =	shalt  }
0x7f: {  	_ =	shalt  }
0x80: {  	_ =	shalt  }
0x81: {  	_ =	shalt  }
0x82: {  	_ =	shalt  }
0x83: {  	_ =	shalt  }
0x84: {  	_ =	shalt  }
0x85: {  	_ =	shalt  }
0x86: {  	_ =	shalt  }
0x87: {  	_ =	shalt  }
.Lfunc_end0:
.L_simem_size_0:
called_computation_lowered:
.L_overlay_start_0:
0x88: {  	s2 =	sld [smem:$0x3FD9]  }
0x89: {  	s3 =	sld [smem:$0x3FFE];
	_ =	sdelay $0x1  }
0x8a: {  	s1 =	srdreg.scid  }
0x8b: {  	s0 =	sand.u32 $0x1, s1  }
0x8c: {  	s17 =	sshll.u32 s0, $0xA;
	s2 =	sadd.s32 s3, s2  }
0x8d: {  	s2 =	sadd.s32 s2, s17  }
0x8e: {  	[smem:$0x3FC0] =	sst s2  }
0x8f: {  	_ = 	snop  }
0x90: {  	s2 =	sld [smem:$0x3FD0];
	(tm) =	ssettm $0x1  }
0x91: {  	s18 =	sld [smem:$0x3FFB];
	_ =	sdelay $0x3  }
0x92: {  	_ =	strace s18  }
0x93: {  	s3 =	sld [smem:$0x3FFC];
	_ =	sdelay $0x3  }
0x94: {  	_ =	strace s3  }
0x95: {  	s3 =	sld [smem:$0x3FFD];
	_ =	sdelay $0x3  }
0x96: {  	_ =	strace s3  }
0x97: {  	_ =	strace $0x8FFFFFFF  }
0x98: {  	s19 =	sld [smem:$0x3FDB];
	_ =	sdelay $0x1  }
0x99: {  	s4 =	simm.s32 $_scs_section_size  }
0x9a: {  	s5 =	simm.s32 $_size__tile_overlayer_lowered;
	s6 =	simm.s32 $_tile_overlayer_lowered  }
0x9b: {  	s22 =	simm.s32 $0x1BFF;
	s21 =	sshll.u32 s6, $0x1;
	s3 =	sadd.s32 s4, s19  }
0x9c: {  	s7 =	simm.s32 $0x0;
	s20 =	sshll.u32 s5, $0x1;
	s5 =	sadd.s32 s21, s3  }
0x9d: {  	[timem:s7], [sflag:s22] =	dma.local [hbm:s5], s20  }
0x9e: {  	_ =	swait.ge [sflag:s22], s20  }
0x9f: {  	s4 =	ssub.s32 $0x0, s20;
	[sflag:s22] =	ssyncset.done $0x0  }
0xa0: {  	[sflag:s22] =	ssyncadd.s32 s4;
	_ =	sdelay $0x1  }
0xa1: {  	s23 =	simm.s32 $0x1B8B  }
0xa2: {  	_ =	swait.ge [sflag:s23], $0x1  }
0xa3: {  	[sflag:s23] =	ssyncset.done $0x0  }
0xa4: {  	s25 =	simm.s32 $0x1B8E;
	s24 =	sld [smem:$0x3FFE];
	[sflag:s23] =	ssyncadd.s32 $0xFFFFFFFF  }
0xa5: {  	s26 =	simm.s32 $execute0_lowered;
	[smem:$0x3FD2] =	sst s25  }
0xa6: {  	s5 =	sshll.u32 s26, $0x1;
	_ =	strace $0x80000046;
	[dreg:$0x1] =	wrdreg $0xFFFFFFFF  }
0xa7: {  	s28 =	simm.s32 $_size_execute0_lowered;
	s3 =	sadd.s32 s3, s5;
	[dreg:$0x0] =	wrdreg $0x0  }
0xa8: {  	s5 =	sshll.u32 s28, $0x1;
	[dreg:$0x2] =	wrdreg s3  }
0xa9: {  	[dreg:$0x3] =	wrdreg s5  }
0xaa: {  	[dreg:$0x4] =	wrdreg $0xC0  }
0xab: {  	_ =	task [dreg:s7], $0x5FFFF  }
0xac: {  	[dreg:$0x1] =	wrdreg $0xFFFFFFFF  }
0xad: {  	[dreg:$0x0] =	wrdreg $0x60  }
0xae: {  	[dreg:$0x2] =	wrdreg s24  }
0xaf: {  	[dreg:$0x3] =	wrdreg s2  }
0xb0: {  	[dreg:$0x4] =	wrdreg $0x0  }
0xb1: {  	[dreg:$0x5] =	wrdreg $0x9  }
0xb2: {  	_ =	task.clear_ibuf [dreg:s7], $0x6FFFF;
	_ =	strace $0x90000046  }
0xb3: {  	s29 =	simm.s32 $0x9;
	_ =	strace $0x80000048  }
0xb4: {  	_ =	swait.ge [sflag:s29], $0x1  }
0xb5: {  	[sflag:s29] =	ssyncadd.s32 $0xFFFFFFFF  }
0xb6: {  	_ =	strace $0x90000048  }
0xb7: {  	_ =	sfence  }
0xb8: {  	s30 =	sld [smem:$0x0];
	_ =	sdelay $0x2  }
0xb9: {  	s31 =	sshll.u32 s1, $0xD;
	s1 =	sshrl.u32 s1, $0x2  }
0xba: {  	s3 =	sand.u32 $0x4000, s31;
	s1 =	sadd.s32 s1, s30  }
0xbb: {  	s0 =	sor.u32 s3, s0;
	s1 =	sshll.u32 s1, $0x11  }
0xbc: {  	s0 =	sor.u32 s1, s0  }
0xbd: {  	s0 =	sadd.s32 $0x8F2B, s0  }
0xbe: {  	[sflag:s0] =	ssyncadd.remote.s32 $0x1  }
0xbf: {  	_ =	sfence.sel $0xFFFF  }
0xc0: {  	[dreg:$0x0] =	wrdreg $0xFFFFFFFF;
	(pc) =	sbr.abs _section_cstart, $3  }
0xc1: {  	[dreg:$0x1] =	wrdreg $0xFFFFFFFF  }
0xc2: {  	_ =	task.clear_ibuf [dreg:s7], $0x2FFFF;
	_ =	strace $0x9FFFFFFF  }
0xc3: {  	(tm) =	ssettm $0x7FFFFFFF  }
tec
execute0_lowered:
.L_overlay_start_1:
0x0: {  	(tag) =	ssettag $0x1  }
0x1: {  	s24 =	rddreg [dreg:$0x0]  }
0x2: {  	s9 =	rddreg [dreg:$0x1]  }
0x3: {  	s1 =	rddreg [dreg:$0x2]  }
0x4: {  	s0 =	rddreg [dreg:$0x3]  }
0x5: {  	s3 =	simm.s32 $0x0;
	s5 =	srdreg.scid;
	s2 =	stileid.u32  }
0x6: {  	[smem:$0x7FF] =	sst s3;
	s4 =	sadd.s32 $0x1400, s24;
	s25 =	sand.u32 $0x1, s5  }
0x7: {  	s26 =	smul.u32 $0x2800, s2;
	s5 =	sadd.s32 $0x10400, s24;
	s30 =	sshll.u32 s2, $0x6  }
0x8: {  	_ =	strace $0x80000047;
	s6 =	sshll.u32 s25, $0x4;
	p0 =	seq.s32 s25, $0x1  }
0x9: {  	s7 =	smov.u32 s4;
	s10 =	sor.u32 s2, s6;
	s29 =	sshrl.u32 s26, $0x3  }
0xa: {  	s7 =	smov.u32 @p0 s5;
	s8 =	sadd.s32 s26, s1;
	s6 =	sor.u32 $0x1C02, s30  }
0xb: {  	s5 =	sadd.s32 s7, s29;
	s8 =	sshrl.u32 s8, $0x3;
	s7 =	simm.s32 $0x2  }
0xc: {  	[spmem:s8], [sflag:s6] =	dma.local [hbm:s5], $0x500  }
0xd: {  	s11 =	smul.u32 $0x500, s10;
	_ =	swait.ge [sflag:s7], $0x500  }
0xe: {  	[sflag:s7] =	ssyncset.done $0x0  }
0xf: {  	s10 =	simm.s32 $0x2810;
	s9 =	sadd.s32 s9, s11;
	[sflag:s7] =	ssyncadd.s32 $0xFFFFFB00  }
0x10: {  	[tilespmem:s10], [sflag:$0x2] =	stream.linear.gather [hbm4b:s9+s3], $0x2800, $0x38;
	[tilespmem:$0xF810] =	vst v63  }
0x11: {  	_ =	swait.ge [sflag:s7], $0x2800  }
0x12: {  	s11 =	sadd.s32 s11, s24;
	[sflag:s7] =	ssyncset.done $0x0  }
0x13: {  	s12 =	simm.s32 $0x5010;
	s11 =	sadd.s32 $0x6400, s11;
	[sflag:s7] =	ssyncadd.s32 $0xFFFFD800  }
0x14: {  	[tilespmem:s12], [sflag:$0x2] =	stream.linear.gather [hbm4b:s11+s3], $0x2800, $0x38;
	[tilespmem:$0xF810] =	vst v63  }
0x15: {  	_ =	swait.ge [sflag:s7], $0x2800  }
0x16: {  	[sflag:s7] =	ssyncset.done $0x0  }
0x17: {  	s13 =	simm.s32 $0x800;
	[sflag:s7] =	ssyncadd.s32 $0xFFFFD800  }
0x18: {  	s14 =	simm.s32 $0x7810;
	s15 =	simm.s32 $0x1;
	[bflag:$0x0] =	sbarrier.arrive $0xFFFF  }
0x19: {  	[tilespmem:s14], [sflag:$0x1] =	stream.indirect.gather [hbm4b:s4+s13], $0x10, s10, s13, $0xb8;
	[tilespmem:$0xF810] =	vst v63  }
0x1a: {  	_ =	swait.ge [sflag:s15], $0x8000  }
0x1b: {  	[sflag:s15] =	ssyncset.done $0x0  }
0x1c: {  	[sflag:s15] =	ssyncadd.s32 $0xFFFF8000  }
0x1d: {  	[spmem:s1] =	stream.indirect.scatter.add.f32 [tilespmem:s14], [sflag:$0x2], $0x10, s12, s13, $0xb8;
	[tilespmem:$0xF810] =	vst v63  }
0x1e: {  	_ =	swait.ge [sflag:s7], $0x8000  }
0x1f: {  	[sflag:s7] =	ssyncset.done $0x0  }
0x20: {  	s16 =	simm.s32 $0x3010;
	[sflag:s7] =	ssyncadd.s32 $0xFFFF8000  }
0x21: {  	[tilespmem:s14], [sflag:$0x1] =	stream.indirect.gather [hbm4b:s4+s13], $0x10, s16, s13, $0xb8;
	[tilespmem:$0xF810] =	vst v63  }
0x22: {  	_ =	swait.ge [sflag:s15], $0x8000  }
0x23: {  	[sflag:s15] =	ssyncset.done $0x0  }
0x24: {  	s17 =	simm.s32 $0x5810;
	[sflag:s15] =	ssyncadd.s32 $0xFFFF8000  }
0x25: {  	[spmem:s1] =	stream.indirect.scatter.add.f32 [tilespmem:s14], [sflag:$0x2], $0x10, s17, s13, $0xb8;
	[tilespmem:$0xF810] =	vst v63  }
0x26: {  	_ =	swait.ge [sflag:s7], $0x8000  }
0x27: {  	[sflag:s7] =	ssyncset.done $0x0  }
0x28: {  	s18 =	simm.s32 $0x3810;
	[sflag:s7] =	ssyncadd.s32 $0xFFFF8000  }
0x29: {  	[tilespmem:s14], [sflag:$0x1] =	stream.indirect.gather [hbm4b:s4+s13], $0x10, s18, s13, $0xb8;
	[tilespmem:$0xF810] =	vst v63  }
0x2a: {  	_ =	swait.ge [sflag:s15], $0x8000  }
0x2b: {  	[sflag:s15] =	ssyncset.done $0x0  }
0x2c: {  	s19 =	simm.s32 $0x6010;
	[sflag:s15] =	ssyncadd.s32 $0xFFFF8000  }
0x2d: {  	[spmem:s1] =	stream.indirect.scatter.add.f32 [tilespmem:s14], [sflag:$0x2], $0x10, s19, s13, $0xb8;
	[tilespmem:$0xF810] =	vst v63  }
0x2e: {  	_ =	swait.ge [sflag:s7], $0x8000  }
0x2f: {  	[sflag:s7] =	ssyncset.done $0x0  }
0x30: {  	s20 =	simm.s32 $0x4010;
	[sflag:s7] =	ssyncadd.s32 $0xFFFF8000  }
0x31: {  	[tilespmem:s14], [sflag:$0x1] =	stream.indirect.gather [hbm4b:s4+s13], $0x10, s20, s13, $0xb8;
	[tilespmem:$0xF810] =	vst v63  }
0x32: {  	_ =	swait.ge [sflag:s15], $0x8000  }
0x33: {  	[sflag:s15] =	ssyncset.done $0x0  }
0x34: {  	s21 =	simm.s32 $0x6810;
	[sflag:s15] =	ssyncadd.s32 $0xFFFF8000  }
0x35: {  	[spmem:s1] =	stream.indirect.scatter.add.f32 [tilespmem:s14], [sflag:$0x2], $0x10, s21, s13, $0xb8;
	[tilespmem:$0xF810] =	vst v63  }
0x36: {  	_ =	swait.ge [sflag:s7], $0x8000  }
0x37: {  	[sflag:s7] =	ssyncset.done $0x0  }
0x38: {  	s22 =	simm.s32 $0x4810;
	[sflag:s7] =	ssyncadd.s32 $0xFFFF8000  }
0x39: {  	[tilespmem:s14], [sflag:$0x1] =	stream.indirect.gather [hbm4b:s4+s13], $0x10, s22, s13, $0xb8;
	[tilespmem:$0xF810] =	vst v63  }
0x3a: {  	s28 =	smul.u32 $0x28000, s25;
	s25 =	ssub.s32 $0x2, s25;
	_ =	swait.ge [sflag:s15], $0x8000  }
0x3b: {  	s31 =	sshrl.u32 s25, $0x1;
	[sflag:s15] =	ssyncset.done $0x0  }
0x3c: {  	s23 =	simm.s32 $0x7010;
	s25 =	ssub.s32 s25, s31;
	[sflag:s15] =	ssyncadd.s32 $0xFFFF8000  }
0x3d: {  	[spmem:s1] =	stream.indirect.scatter.add.f32 [tilespmem:s14], [sflag:$0x2], $0x10, s23, s13, $0xb8;
	[tilespmem:$0xF810] =	vst v63  }
0x3e: {  	s26 =	sadd.s32 s26, s28;
	s25 =	smax.u32 s25, $0x1;
	_ =	swait.ge [sflag:s7], $0x8000  }
0x3f: {  	s26 =	sshrl.u32 s26, $0x3;
	p0 =	sne.s32 s25, $0x1;
	[sflag:s7] =	ssyncset.done $0x0  }
.Ltmp0:
0x40: {  	s24 =	sadd.s32 s26, s24;
	[sflag:s7] =	ssyncadd.s32 $0xFFFF8000;
	(pc) =	sbr.rel @!p0 .LBB2_2-.Ltmp0, $4  }
0x41: {  	s24 =	sadd.s32 $0x15400, s24;
	[bflag:$0x0] =	sbarrier.arrive $0xFFFF  }
0x42: {  	[hbm:s24], [sflag:s6] =	dma.local [spmem:s8], $0x500  }
0x43: {  	_ =	swait.ge [sflag:s7], $0x500  }
0x44: {  	s25 =	sadd.s32 $0xFFFFFFFF, s25;
	[sflag:s7] =	ssyncset.done $0x0  }
.LBB2_1:
0x45: {  	p0 =	sne.s32 s25, $0x1;
	s25 =	sadd.s32 $0xFFFFFFFF, s25;
	[sflag:s7] =	ssyncadd.s32 $0xFFFFFB00  }
0x46: {  	[spmem:s8], [sflag:s6] =	dma.local [hbm:s5], $0x500  }
0x47: {  	_ =	swait.ge [sflag:s7], $0x500  }
0x48: {  	[sflag:s7] =	ssyncset.done $0x0  }
0x49: {  	[sflag:s7] =	ssyncadd.s32 $0xFFFFFB00  }
0x4a: {  	[tilespmem:s10], [sflag:$0x2] =	stream.linear.gather [hbm4b:s9+s3], $0x2800, $0x38;
	[tilespmem:$0xF810] =	vst v63  }
0x4b: {  	_ =	swait.ge [sflag:s7], $0x2800  }
0x4c: {  	[sflag:s7] =	ssyncset.done $0x0  }
0x4d: {  	[sflag:s7] =	ssyncadd.s32 $0xFFFFD800  }
0x4e: {  	[tilespmem:s12], [sflag:$0x2] =	stream.linear.gather [hbm4b:s11+s3], $0x2800, $0x38;
	[tilespmem:$0xF810] =	vst v63  }
0x4f: {  	_ =	swait.ge [sflag:s7], $0x2800  }
0x50: {  	[sflag:s7] =	ssyncset.done $0x0  }
0x51: {  	[sflag:s7] =	ssyncadd.s32 $0xFFFFD800  }
0x52: {  	[bflag:$0x0] =	sbarrier.arrive $0xFFFF  }
0x53: {  	[tilespmem:s14], [sflag:$0x1] =	stream.indirect.gather [hbm4b:s4+s13], $0x10, s10, s13, $0xb8;
	[tilespmem:$0xF810] =	vst v63  }
0x54: {  	_ =	swait.ge [sflag:s15], $0x8000  }
0x55: {  	[sflag:s15] =	ssyncset.done $0x0  }
0x56: {  	[sflag:s15] =	ssyncadd.s32 $0xFFFF8000  }
0x57: {  	[spmem:s1] =	stream.indirect.scatter.add.f32 [tilespmem:s14], [sflag:$0x2], $0x10, s12, s13, $0xb8;
	[tilespmem:$0xF810] =	vst v63  }
0x58: {  	_ =	swait.ge [sflag:s7], $0x8000  }
0x59: {  	[sflag:s7] =	ssyncset.done $0x0  }
0x5a: {  	[sflag:s7] =	ssyncadd.s32 $0xFFFF8000  }
0x5b: {  	[tilespmem:s14], [sflag:$0x1] =	stream.indirect.gather [hbm4b:s4+s13], $0x10, s16, s13, $0xb8;
	[tilespmem:$0xF810] =	vst v63  }
0x5c: {  	_ =	swait.ge [sflag:s15], $0x8000  }
0x5d: {  	[sflag:s15] =	ssyncset.done $0x0  }
0x5e: {  	[sflag:s15] =	ssyncadd.s32 $0xFFFF8000  }
0x5f: {  	[spmem:s1] =	stream.indirect.scatter.add.f32 [tilespmem:s14], [sflag:$0x2], $0x10, s17, s13, $0xb8;
	[tilespmem:$0xF810] =	vst v63  }
0x60: {  	_ =	swait.ge [sflag:s7], $0x8000  }
0x61: {  	[sflag:s7] =	ssyncset.done $0x0  }
0x62: {  	[sflag:s7] =	ssyncadd.s32 $0xFFFF8000  }
0x63: {  	[tilespmem:s14], [sflag:$0x1] =	stream.indirect.gather [hbm4b:s4+s13], $0x10, s18, s13, $0xb8;
	[tilespmem:$0xF810] =	vst v63  }
0x64: {  	_ =	swait.ge [sflag:s15], $0x8000  }
0x65: {  	[sflag:s15] =	ssyncset.done $0x0  }
0x66: {  	[sflag:s15] =	ssyncadd.s32 $0xFFFF8000  }
0x67: {  	[spmem:s1] =	stream.indirect.scatter.add.f32 [tilespmem:s14], [sflag:$0x2], $0x10, s19, s13, $0xb8;
	[tilespmem:$0xF810] =	vst v63  }
0x68: {  	_ =	swait.ge [sflag:s7], $0x8000  }
0x69: {  	[sflag:s7] =	ssyncset.done $0x0  }
0x6a: {  	[sflag:s7] =	ssyncadd.s32 $0xFFFF8000  }
0x6b: {  	[tilespmem:s14], [sflag:$0x1] =	stream.indirect.gather [hbm4b:s4+s13], $0x10, s20, s13, $0xb8;
	[tilespmem:$0xF810] =	vst v63  }
0x6c: {  	_ =	swait.ge [sflag:s15], $0x8000  }
0x6d: {  	[sflag:s15] =	ssyncset.done $0x0  }
0x6e: {  	[sflag:s15] =	ssyncadd.s32 $0xFFFF8000  }
0x6f: {  	[spmem:s1] =	stream.indirect.scatter.add.f32 [tilespmem:s14], [sflag:$0x2], $0x10, s21, s13, $0xb8;
	[tilespmem:$0xF810] =	vst v63  }
0x70: {  	_ =	swait.ge [sflag:s7], $0x8000  }
0x71: {  	[sflag:s7] =	ssyncset.done $0x0  }
0x72: {  	[sflag:s7] =	ssyncadd.s32 $0xFFFF8000  }
0x73: {  	[tilespmem:s14], [sflag:$0x1] =	stream.indirect.gather [hbm4b:s4+s13], $0x10, s22, s13, $0xb8;
	[tilespmem:$0xF810] =	vst v63  }
0x74: {  	_ =	swait.ge [sflag:s15], $0x8000  }
0x75: {  	[sflag:s15] =	ssyncset.done $0x0  }
0x76: {  	[sflag:s15] =	ssyncadd.s32 $0xFFFF8000  }
0x77: {  	[spmem:s1] =	stream.indirect.scatter.add.f32 [tilespmem:s14], [sflag:$0x2], $0x10, s23, s13, $0xb8;
	[tilespmem:$0xF810] =	vst v63  }
0x78: {  	_ =	swait.ge [sflag:s7], $0x8000  }
0x79: {  	[sflag:s7] =	ssyncset.done $0x0  }
.Ltmp1:
0x7a: {  	[sflag:s7] =	ssyncadd.s32 $0xFFFF8000;
	(pc) =	sbr.rel @p0 .LBB2_1-.Ltmp1, $4  }
0x7b: {  	[bflag:$0x0] =	sbarrier.arrive $0xFFFF  }
0x7c: {  	[hbm:s24], [sflag:s6] =	dma.local [spmem:s8], $0x500  }
0x7d: {  	_ =	swait.ge [sflag:s7], $0x500  }
0x7e: {  	[sflag:s7] =	ssyncset.done $0x0  }
.LBB2_2:
0x7f: {  	[sflag:s7] =	ssyncadd.s32 $0xFFFFFB00  }
0x80: {  	_ =	sfence.sel $0x180000  }
0x81: {  	[bflag:$0x0] =	sbarrier.arrive $0xFFFF  }
0x82: {  	p0 =	sne.s32 s2, $0x0;
	_ =	strace $0x90000047  }
0x83: {  	s0 =	sadd.s32 @!p0 $0x100000, s0;
	[bflag:$0x2] =	sbarrier.arrive $0xFFFF  }
0x84: {  	[sflag:s0] =	ssyncadd.tile.s32 @!p0 $0x1;
	_ =	shalt  }
.Lfunc_end2:
_tile_overlayer_lowered:
.L_overlay_start_2:
0x85: {  	(tag) =	ssettag $0x2  }
0x86: {  	s0 =	rddreg [dreg:$0x0];
	s2 =	stileid.u32  }
0x87: {  	s1 =	rddreg [dreg:$0x1];
	p0 =	sne.s32 s2, $0x0  }
0x88: {  	s3 =	rddreg [dreg:$0x2];
	[bflag:$0x3] =	sbarrier.arrive $0xFFFF;
	s2 =	simm.s32 @!p0 $0x1C02  }
0x89: {  	[timem:s3], [sflag:s2] =	dma.local @!p0 [hbm:s0], s1  }
0x8a: {  	s0 =	simm.s32 @!p0 $0x2  }
0x8b: {  	_ =	swait.ge @!p0 [sflag:s0], s1  }
0x8c: {  	s1 =	ssub.s32 @!p0 $0x0, s1;
	[sflag:s0] =	ssyncset.done @!p0 $0x0  }
0x8d: {  	[sflag:s0] =	ssyncadd.s32 @!p0 s1  }
0x8e: {  	[bflag:$0x3] =	sbarrier.arrive $0xFFFF  }
0x8f: {  	_ =	shalt  }

</sc_bundles>
